<compile_context>
chip_gen: v7x
topology: tpu7x:2x2x1
jax: 0.10.2.dev20260603
libtpu: 0.0.44.dev20260713+nightly
codegen_flags: <defaults>
</compile_context>

<pallas_src>
import jax
import jax.numpy as jnp
from jax import lax
from jax.experimental import pallas as pl
from jax.experimental.pallas import tpu as pltpu
from jax.experimental.pallas import tpu_sc as plsc

_B = 4096
_L = 16
_NW = 32
_RPW = 32
_SC_ROWS = _NW * _RPW
_TC_ROWS = _B - _SC_ROWS
_STAGE = 8
_NSTAGE = _RPW // _STAGE
_TCBLK = 256


def _sc_body(x_hbm, out_hbm, xbuf0, xbuf1, pbuf, sem0, sem1):
    wid = lax.axis_index("s") * 2 + lax.axis_index("c")
    row0 = _TC_ROWS + wid * _RPW
    lane = lax.iota(jnp.int32, _L)
    bufs = (xbuf0, xbuf1)
    sems = (sem0, sem1)

    def stage_src(s):
        return x_hbm.at[pl.ds(row0 + s * _STAGE, _STAGE), :]

    pltpu.async_copy(stage_src(0), xbuf0, sem0)
    pltpu.async_copy(stage_src(1), xbuf1, sem1)

    def process_row(buf, s, r):
        def p1(jj, accs):
            base = pl.multiple_of(jj * 256, 256)
            a = list(accs)
            for u in range(16):
                a[u % 8] = a[u % 8] + buf[r, pl.ds(base + u * _L, _L)]
            return tuple(a)

        accs = lax.fori_loop(
            0, _B // 256, p1,
            tuple(jnp.zeros((_L,), jnp.float32) for _ in range(8)),
        )
        acc = ((accs[0] + accs[1]) + (accs[2] + accs[3])) + (
            (accs[4] + accs[5]) + (accs[6] + accs[7])
        )
        vlast = buf[r, pl.ds(_B - _L, _L)]
        acc = acc - jnp.where(lane == _L - 1, vlast, 0.0)
        d = jnp.sum(acc)
        rv = 1.0 / jnp.broadcast_to(d, (_L,))

        def p2(jj, paccs):
            base = pl.multiple_of(jj * 256, 256)
            a = list(paccs)
            for u in range(16):
                a[u % 8] = a[u % 8] * (1.0 - buf[r, pl.ds(base + u * _L, _L)] * rv)
            return tuple(a)

        paccs = lax.fori_loop(
            0, _B // 256, p2,
            tuple(jnp.ones((_L,), jnp.float32) for _ in range(8)),
        )
        pacc = ((paccs[0] * paccs[1]) * (paccs[2] * paccs[3])) * (
            (paccs[4] * paccs[5]) * (paccs[6] * paccs[7])
        )
        v0 = buf[r, pl.ds(0, _L)]
        px0 = v0 * rv
        fix0 = jnp.where(lane == 0, px0 / (1.0 - px0), 1.0)
        pxl = vlast * rv
        fixl = jnp.where(lane == _L - 1, 1.0 / (1.0 - pxl), 1.0)
        poff = pl.multiple_of((s * _STAGE + r) * _L, _L)
        pbuf[pl.ds(poff, _L)] = pacc * fix0 * fixl

    def group(g, _):
        for b in range(2):
            s = 2 * g + b
            pltpu.make_async_copy(stage_src(s), bufs[b], sems[b]).wait()
            lax.fori_loop(0, _STAGE, lambda r, _: (process_row(bufs[b], s, r), 0)[1], 0)

            @pl.when(s + 2 < _NSTAGE)
            def _():
                pltpu.async_copy(stage_src(s + 2), bufs[b], sems[b])
        return 0

    lax.fori_loop(0, _NSTAGE // 2, group, 0)
    if _NSTAGE % 2 == 1:
        s_last = _NSTAGE - 1
        b_last = s_last % 2
        pltpu.make_async_copy(stage_src(s_last), bufs[b_last], sems[b_last]).wait()
        lax.fori_loop(0, _STAGE, lambda r, _: (process_row(bufs[b_last], s_last, r), 0)[1], 0)
    pltpu.sync_copy(pbuf, out_hbm.at[pl.ds(wid * _RPW * _L, _RPW * _L)])


_sc_call = pl.kernel(
    _sc_body,
    out_type=jax.ShapeDtypeStruct((_SC_ROWS * _L,), jnp.float32),
    mesh=plsc.VectorSubcoreMesh(core_axis_name="c", subcore_axis_name="s"),
    compiler_params=pltpu.CompilerParams(needs_layout_passes=False),
    scratch_types=[
        pltpu.VMEM((_STAGE, _B), jnp.float32),
        pltpu.VMEM((_STAGE, _B), jnp.float32),
        pltpu.VMEM((_RPW * _L,), jnp.float32),
        pltpu.SemaphoreType.DMA,
        pltpu.SemaphoreType.DMA,
    ],
)


def _tc_body(x_ref, out_ref):
    i = pl.program_id(0)
    xb = x_ref[...]
    s = jnp.sum(xb, axis=1)
    x0 = xb[:, 0]
    xl = xb[:, _B - 1]
    d = s - xl
    rinv = 1.0 / d
    rc = rinv[:, None]
    p = 1.0 - xb[:, 0:128] * rc
    for k in range(1, _B // 128):
        p = p * (1.0 - xb[:, k * 128:(k + 1) * 128] * rc)
    row = (jnp.log(x0 * rinv) - jnp.log(1.0 - x0 * rinv)
           - jnp.log(1.0 - xl * rinv) + jnp.sum(jnp.log(p), axis=1))
    tot = jnp.sum(row)

    @pl.when(i == 0)
    def _init():
        out_ref[...] = jnp.zeros((1, 1), jnp.float32)

    out_ref[...] += tot.reshape(1, 1)


def _combine_body(tcp_ref, p_ref, out_ref):
    z = jnp.sum(jnp.log(p_ref[...])) + tcp_ref[0, 0]
    out_ref[...] = (z * (-1.0 / _B)).reshape(1, 1)


def kernel(x, targets):
    del targets
    p = _sc_call(x)
    tc_part = pl.pallas_call(
        _tc_body,
        grid=(_TC_ROWS // _TCBLK,),
        in_specs=[pl.BlockSpec((_TCBLK, _B), lambda i: (i, 0))],
        out_specs=pl.BlockSpec((1, 1), lambda i: (0, 0)),
        out_shape=jax.ShapeDtypeStruct((1, 1), jnp.float32),
    )(x)
    res = pl.pallas_call(
        _combine_body,
        out_shape=jax.ShapeDtypeStruct((1, 1), jnp.float32),
    )(tc_part, p.reshape(_SC_ROWS // 8, _L * 8))
    return res.reshape(1)

# --- scband reference (transcript-rebuilt; emitter-appended) ---
"""Pipeline reference for scband-batch-criterion-30253749633131 (READ-ONLY COPY).

The authoritative reference and input builder live on the scoring server;
editing this copy changes nothing except your own understanding.
"""

import jax, jax.numpy as jnp
import numpy as np

NEG_M = 1.0

def setup_inputs(seed: int = 0) -> dict:
    key = jax.random.key(seed)
    k1, k2 = jax.random.split(key)
    # x must be strictly positive probabilities-like values (torch code takes log of ratios)
    x = jax.random.uniform(k1, (4096, 4096), dtype=jnp.float32, minval=0.01, maxval=1.0)
    targets = jax.random.randint(k2, (4096,), 0, 4096, dtype=jnp.int64)
    return {"x": x, "targets": targets}

def reference(x, targets):
    # negM >= 1 branch of BatchCriterion.forward
    B = x.shape[0]
    negM = NEG_M
    Pmt = x[:, 0]                                  # x.select(1, 0)
    neg = x[:, 1:B - 1]                            # x.narrow(1, 1, B-2)
    Pmt_div = neg.sum(axis=1) * negM + Pmt         # [B]
    lnPmt = jnp.log(Pmt / Pmt_div)                 # [B]
    Pon = neg / Pmt_div[:, None]                   # Pon / Pon_div.t()
    lnPon = jnp.log(1.0 - Pon)                     # -(Pon + (-1)) then log
    lnPmtsum = lnPmt.sum(axis=0)                   # scalar
    lnPonsum = lnPon.reshape(-1, 1).sum(axis=0)    # shape (1,)
    lnPonsum = lnPonsum * negM
    loss = -(lnPmtsum + lnPonsum) / B              # shape (1,)
    return loss

if __name__ == "__main__":
    import jax
    _d = setup_inputs()
    print(jax.jit(kernel)(*tuple(_d.values())))

</pallas_src>

<mosaic_0001>
#map = affine_map<(d0, d1) -> (0, 0)>
#map1 = affine_map<(d0, d1) -> (0)>
module attributes {stable_mosaic.version = 14 : i64} {
  func.func @_sc_body(%arg0: i32, %arg1: i32, %arg2: memref<4096x4096xf32, #tpu.memory_space<hbm>>, %arg3: memref<16384xf32, #tpu.memory_space<hbm>>, %arg4: memref<8x4096xf32, #tpu.memory_space<vmem>>, %arg5: memref<8x4096xf32, #tpu.memory_space<vmem>>, %arg6: memref<512xf32, #tpu.memory_space<vmem>>, %arg7: memref<!tpu.dma_semaphore, #tpu.memory_space<semaphore_mem>>, %arg8: memref<!tpu.dma_semaphore, #tpu.memory_space<semaphore_mem>>) attributes {dimension_semantics = [#tpu.dimension_semantics<core_parallel>, #tpu.dimension_semantics<subcore_parallel>], iteration_bounds = array<i64: 2, 16>, scalar_prefetch = 0 : i64, scratch_operands = 5 : i64, tpu.core_type = #tpu.core_type<sc_vector_subcore>, window_params = [{transform_indices = #map}, {transform_indices = #map1}]} {
    %mul3A = arith.constant 2 : i32
    %mul3A_0 = arith.muli %arg1, %mul3A : i32
    %add3A = arith.addi %mul3A_0, %arg0 : i32
    %mul3A_1 = arith.constant 32 : i32
    %mul3A_2 = arith.muli %add3A, %mul3A_1 : i32
    %add3A_3 = arith.constant 3072 : i32
    %add3A_4 = arith.addi %add3A_3, %mul3A_2 : i32
    %iota3A = tpu.iota {dimensions = array<i32: 0>} : vector<16xi32>
    %add3A_5 = arith.constant 0 : i32
    %add3A_6 = arith.addi %add3A_4, %add3A_5 : i32
    %dma_start3A = arith.constant 0 : i32
    %dma_start3A_7 = tpu.memref_slice %arg2[%add3A_6, %dma_start3A] : memref<4096x4096xf32, #tpu.memory_space<hbm>> -> memref<8x4096xf32, #tpu.memory_space<hbm>>
    %dma_start3A_8 = arith.constant 0 : i32
    %dma_start3A_9 = tpu.memref_slice %arg2[%add3A_6, %dma_start3A_8] : memref<4096x4096xf32, #tpu.memory_space<hbm>> -> memref<8x4096xf32, #tpu.memory_space<hbm>>
    tpu.enqueue_dma source(%dma_start3A_9 : memref<8x4096xf32, #tpu.memory_space<hbm>>) target(%arg4 : memref<8x4096xf32, #tpu.memory_space<vmem>>) target_semaphore(%arg7 : memref<!tpu.dma_semaphore, #tpu.memory_space<semaphore_mem>>)
    %add3A_10 = arith.constant 8 : i32
    %add3A_11 = arith.addi %add3A_4, %add3A_10 : i32
    %dma_start3A_12 = arith.constant 0 : i32
    %dma_start3A_13 = tpu.memref_slice %arg2[%add3A_11, %dma_start3A_12] : memref<4096x4096xf32, #tpu.memory_space<hbm>> -> memref<8x4096xf32, #tpu.memory_space<hbm>>
    %dma_start3A_14 = arith.constant 0 : i32
    %dma_start3A_15 = tpu.memref_slice %arg2[%add3A_11, %dma_start3A_14] : memref<4096x4096xf32, #tpu.memory_space<hbm>> -> memref<8x4096xf32, #tpu.memory_space<hbm>>
    tpu.enqueue_dma source(%dma_start3A_15 : memref<8x4096xf32, #tpu.memory_space<hbm>>) target(%arg5 : memref<8x4096xf32, #tpu.memory_space<vmem>>) target_semaphore(%arg8 : memref<!tpu.dma_semaphore, #tpu.memory_space<semaphore_mem>>)
    %scan3A = arith.constant 0 : i32
    %scan3A_16 = arith.constant 0 : i32
    %scan3A_17 = arith.constant 2 : i32
    %scan3A_18 = arith.addi %scan3A_16, %scan3A_17 : i32
    %scan3A_19 = arith.constant 1 : i32
    %scan3A_20 = scf.for %scan3A_26 = %scan3A_16 to %scan3A_18 step %scan3A_19 iter_args(%scan3A_27 = %scan3A) -> (i32)  : i32 {
      %mul3A_28 = arith.constant 2 : i32
      %mul3A_29 = arith.muli %mul3A_28, %scan3A_26 : i32
      %add3A_30 = arith.constant 0 : i32
      %add3A_31 = arith.addi %mul3A_29, %add3A_30 : i32
      %mul3A_32 = arith.constant 8 : i32
      %mul3A_33 = arith.muli %add3A_31, %mul3A_32 : i32
      %add3A_34 = arith.addi %add3A_4, %mul3A_33 : i32
      %dma_wait3A = arith.constant 0 : i32
      %dma_wait3A_35 = tpu.memref_slice %arg2[%add3A_34, %dma_wait3A] : memref<4096x4096xf32, #tpu.memory_space<hbm>> -> memref<8x4096xf32, #tpu.memory_space<hbm>>
      %dma_wait3A_36 = arith.constant 0 : i32
      %dma_wait3A_37 = tpu.memref_slice %arg2[%add3A_34, %dma_wait3A_36] : memref<4096x4096xf32, #tpu.memory_space<hbm>> -> memref<8x4096xf32, #tpu.memory_space<hbm>>
      tpu.wait_dma2 semaphore(%arg7 : memref<!tpu.dma_semaphore, #tpu.memory_space<semaphore_mem>>) src(%dma_wait3A_37 : memref<8x4096xf32, #tpu.memory_space<hbm>>) dst(%arg4 : memref<8x4096xf32, #tpu.memory_space<vmem>>)
      %scan3A_38 = arith.constant 0 : i32
      %scan3A_39 = arith.constant 0 : i32
      %scan3A_40 = arith.constant 8 : i32
      %scan3A_41 = arith.addi %scan3A_39, %scan3A_40 : i32
      %scan3A_42 = arith.constant 1 : i32
      %scan3A_43 = scf.for %scan3A_75 = %scan3A_39 to %scan3A_41 step %scan3A_42 iter_args(%scan3A_76 = %scan3A_38) -> (i32)  : i32 {
        %broadcast_in_dim3A = arith.constant 0.000000e+00 : f32
        %broadcast_in_dim3A_77 = vector.broadcast %broadcast_in_dim3A : f32 to vector<16xf32>
        %broadcast_in_dim3A_78 = arith.constant 0.000000e+00 : f32
        %broadcast_in_dim3A_79 = vector.broadcast %broadcast_in_dim3A_78 : f32 to vector<16xf32>
        %broadcast_in_dim3A_80 = arith.constant 0.000000e+00 : f32
        %broadcast_in_dim3A_81 = vector.broadcast %broadcast_in_dim3A_80 : f32 to vector<16xf32>
        %broadcast_in_dim3A_82 = arith.constant 0.000000e+00 : f32
        %broadcast_in_dim3A_83 = vector.broadcast %broadcast_in_dim3A_82 : f32 to vector<16xf32>
        %broadcast_in_dim3A_84 = arith.constant 0.000000e+00 : f32
        %broadcast_in_dim3A_85 = vector.broadcast %broadcast_in_dim3A_84 : f32 to vector<16xf32>
        %broadcast_in_dim3A_86 = arith.constant 0.000000e+00 : f32
        %broadcast_in_dim3A_87 = vector.broadcast %broadcast_in_dim3A_86 : f32 to vector<16xf32>
        %broadcast_in_dim3A_88 = arith.constant 0.000000e+00 : f32
        %broadcast_in_dim3A_89 = vector.broadcast %broadcast_in_dim3A_88 : f32 to vector<16xf32>
        %broadcast_in_dim3A_90 = arith.constant 0.000000e+00 : f32
        %broadcast_in_dim3A_91 = vector.broadcast %broadcast_in_dim3A_90 : f32 to vector<16xf32>
        %scan3A_92 = arith.constant 0 : i32
        %scan3A_93 = arith.constant 16 : i32
        %scan3A_94 = arith.addi %scan3A_92, %scan3A_93 : i32
        %scan3A_95 = arith.constant 1 : i32
        %scan3A_96:8 = scf.for %scan3A_181 = %scan3A_92 to %scan3A_94 step %scan3A_95 iter_args(%scan3A_182 = %broadcast_in_dim3A_77, %scan3A_183 = %broadcast_in_dim3A_79, %scan3A_184 = %broadcast_in_dim3A_81, %scan3A_185 = %broadcast_in_dim3A_83, %scan3A_186 = %broadcast_in_dim3A_85, %scan3A_187 = %broadcast_in_dim3A_87, %scan3A_188 = %broadcast_in_dim3A_89, %scan3A_189 = %broadcast_in_dim3A_91) -> (vector<16xf32>, vector<16xf32>, vector<16xf32>, vector<16xf32>, vector<16xf32>, vector<16xf32>, vector<16xf32>, vector<16xf32>)  : i32 {
          %mul3A_190 = arith.constant 256 : i32
          %mul3A_191 = arith.muli %scan3A_181, %mul3A_190 : i32
          %multiple_of3A_192 = tpu.assume_multiple %mul3A_191, 256 : i32
          %add3A_193 = arith.constant 0 : i32
          %add3A_194 = arith.addi %multiple_of3A_192, %add3A_193 : i32
          %get3A_195 = arith.index_cast %scan3A_75 : i32 to index
          %get3A_196 = arith.index_cast %add3A_194 : i32 to index
          %get3A_197 = tpu.vector_load %arg4[%get3A_195, %get3A_196] {strides = array<i32>} : memref<8x4096xf32, #tpu.memory_space<vmem>>, vector<16xf32>,
          %add3A_198 = arith.addf %scan3A_182, %get3A_197 : vector<16xf32>
          %add3A_199 = arith.constant 16 : i32
          %add3A_200 = arith.addi %multiple_of3A_192, %add3A_199 : i32
          %get3A_201 = arith.index_cast %scan3A_75 : i32 to index
          %get3A_202 = arith.index_cast %add3A_200 : i32 to index
          %get3A_203 = tpu.vector_load %arg4[%get3A_201, %get3A_202] {strides = array<i32>} : memref<8x4096xf32, #tpu.memory_space<vmem>>, vector<16xf32>,
          %add3A_204 = arith.addf %scan3A_183, %get3A_203 : vector<16xf32>
          %add3A_205 = arith.constant 32 : i32
          %add3A_206 = arith.addi %multiple_of3A_192, %add3A_205 : i32
          %get3A_207 = arith.index_cast %scan3A_75 : i32 to index
          %get3A_208 = arith.index_cast %add3A_206 : i32 to index
          %get3A_209 = tpu.vector_load %arg4[%get3A_207, %get3A_208] {strides = array<i32>} : memref<8x4096xf32, #tpu.memory_space<vmem>>, vector<16xf32>,
          %add3A_210 = arith.addf %scan3A_184, %get3A_209 : vector<16xf32>
          %add3A_211 = arith.constant 48 : i32
          %add3A_212 = arith.addi %multiple_of3A_192, %add3A_211 : i32
          %get3A_213 = arith.index_cast %scan3A_75 : i32 to index
          %get3A_214 = arith.index_cast %add3A_212 : i32 to index
          %get3A_215 = tpu.vector_load %arg4[%get3A_213, %get3A_214] {strides = array<i32>} : memref<8x4096xf32, #tpu.memory_space<vmem>>, vector<16xf32>,
          %add3A_216 = arith.addf %scan3A_185, %get3A_215 : vector<16xf32>
          %add3A_217 = arith.constant 64 : i32
          %add3A_218 = arith.addi %multiple_of3A_192, %add3A_217 : i32
          %get3A_219 = arith.index_cast %scan3A_75 : i32 to index
          %get3A_220 = arith.index_cast %add3A_218 : i32 to index
          %get3A_221 = tpu.vector_load %arg4[%get3A_219, %get3A_220] {strides = array<i32>} : memref<8x4096xf32, #tpu.memory_space<vmem>>, vector<16xf32>,
          %add3A_222 = arith.addf %scan3A_186, %get3A_221 : vector<16xf32>
          %add3A_223 = arith.constant 80 : i32
          %add3A_224 = arith.addi %multiple_of3A_192, %add3A_223 : i32
          %get3A_225 = arith.index_cast %scan3A_75 : i32 to index
          %get3A_226 = arith.index_cast %add3A_224 : i32 to index
          %get3A_227 = tpu.vector_load %arg4[%get3A_225, %get3A_226] {strides = array<i32>} : memref<8x4096xf32, #tpu.memory_space<vmem>>, vector<16xf32>,
          %add3A_228 = arith.addf %scan3A_187, %get3A_227 : vector<16xf32>
          %add3A_229 = arith.constant 96 : i32
          %add3A_230 = arith.addi %multiple_of3A_192, %add3A_229 : i32
          %get3A_231 = arith.index_cast %scan3A_75 : i32 to index
          %get3A_232 = arith.index_cast %add3A_230 : i32 to index
          %get3A_233 = tpu.vector_load %arg4[%get3A_231, %get3A_232] {strides = array<i32>} : memref<8x4096xf32, #tpu.memory_space<vmem>>, vector<16xf32>,
          %add3A_234 = arith.addf %scan3A_188, %get3A_233 : vector<16xf32>
          %add3A_235 = arith.constant 112 : i32
          %add3A_236 = arith.addi %multiple_of3A_192, %add3A_235 : i32
          %get3A_237 = arith.index_cast %scan3A_75 : i32 to index
          %get3A_238 = arith.index_cast %add3A_236 : i32 to index
          %get3A_239 = tpu.vector_load %arg4[%get3A_237, %get3A_238] {strides = array<i32>} : memref<8x4096xf32, #tpu.memory_space<vmem>>, vector<16xf32>,
          %add3A_240 = arith.addf %scan3A_189, %get3A_239 : vector<16xf32>
          %add3A_241 = arith.constant 128 : i32
          %add3A_242 = arith.addi %multiple_of3A_192, %add3A_241 : i32
          %get3A_243 = arith.index_cast %scan3A_75 : i32 to index
          %get3A_244 = arith.index_cast %add3A_242 : i32 to index
          %get3A_245 = tpu.vector_load %arg4[%get3A_243, %get3A_244] {strides = array<i32>} : memref<8x4096xf32, #tpu.memory_space<vmem>>, vector<16xf32>,
          %add3A_246 = arith.addf %add3A_198, %get3A_245 : vector<16xf32>
          %add3A_247 = arith.constant 144 : i32
          %add3A_248 = arith.addi %multiple_of3A_192, %add3A_247 : i32
          %get3A_249 = arith.index_cast %scan3A_75 : i32 to index
          %get3A_250 = arith.index_cast %add3A_248 : i32 to index
          %get3A_251 = tpu.vector_load %arg4[%get3A_249, %get3A_250] {strides = array<i32>} : memref<8x4096xf32, #tpu.memory_space<vmem>>, vector<16xf32>,
          %add3A_252 = arith.addf %add3A_204, %get3A_251 : vector<16xf32>
          %add3A_253 = arith.constant 160 : i32
          %add3A_254 = arith.addi %multiple_of3A_192, %add3A_253 : i32
          %get3A_255 = arith.index_cast %scan3A_75 : i32 to index
          %get3A_256 = arith.index_cast %add3A_254 : i32 to index
          %get3A_257 = tpu.vector_load %arg4[%get3A_255, %get3A_256] {strides = array<i32>} : memref<8x4096xf32, #tpu.memory_space<vmem>>, vector<16xf32>,
          %add3A_258 = arith.addf %add3A_210, %get3A_257 : vector<16xf32>
          %add3A_259 = arith.constant 176 : i32
          %add3A_260 = arith.addi %multiple_of3A_192, %add3A_259 : i32
          %get3A_261 = arith.index_cast %scan3A_75 : i32 to index
          %get3A_262 = arith.index_cast %add3A_260 : i32 to index
          %get3A_263 = tpu.vector_load %arg4[%get3A_261, %get3A_262] {strides = array<i32>} : memref<8x4096xf32, #tpu.memory_space<vmem>>, vector<16xf32>,
          %add3A_264 = arith.addf %add3A_216, %get3A_263 : vector<16xf32>
          %add3A_265 = arith.constant 192 : i32
          %add3A_266 = arith.addi %multiple_of3A_192, %add3A_265 : i32
          %get3A_267 = arith.index_cast %scan3A_75 : i32 to index
          %get3A_268 = arith.index_cast %add3A_266 : i32 to index
          %get3A_269 = tpu.vector_load %arg4[%get3A_267, %get3A_268] {strides = array<i32>} : memref<8x4096xf32, #tpu.memory_space<vmem>>, vector<16xf32>,
          %add3A_270 = arith.addf %add3A_222, %get3A_269 : vector<16xf32>
          %add3A_271 = arith.constant 208 : i32
          %add3A_272 = arith.addi %multiple_of3A_192, %add3A_271 : i32
          %get3A_273 = arith.index_cast %scan3A_75 : i32 to index
          %get3A_274 = arith.index_cast %add3A_272 : i32 to index
          %get3A_275 = tpu.vector_load %arg4[%get3A_273, %get3A_274] {strides = array<i32>} : memref<8x4096xf32, #tpu.memory_space<vmem>>, vector<16xf32>,
          %add3A_276 = arith.addf %add3A_228, %get3A_275 : vector<16xf32>
          %add3A_277 = arith.constant 224 : i32
          %add3A_278 = arith.addi %multiple_of3A_192, %add3A_277 : i32
          %get3A_279 = arith.index_cast %scan3A_75 : i32 to index
          %get3A_280 = arith.index_cast %add3A_278 : i32 to index
          %get3A_281 = tpu.vector_load %arg4[%get3A_279, %get3A_280] {strides = array<i32>} : memref<8x4096xf32, #tpu.memory_space<vmem>>, vector<16xf32>,
          %add3A_282 = arith.addf %add3A_234, %get3A_281 : vector<16xf32>
          %add3A_283 = arith.constant 240 : i32
          %add3A_284 = arith.addi %multiple_of3A_192, %add3A_283 : i32
          %get3A_285 = arith.index_cast %scan3A_75 : i32 to index
          %get3A_286 = arith.index_cast %add3A_284 : i32 to index
          %get3A_287 = tpu.vector_load %arg4[%get3A_285, %get3A_286] {strides = array<i32>} : memref<8x4096xf32, #tpu.memory_space<vmem>>, vector<16xf32>,
          %add3A_288 = arith.addf %add3A_240, %get3A_287 : vector<16xf32>
          scf.yield %add3A_246, %add3A_252, %add3A_258, %add3A_264, %add3A_270, %add3A_276, %add3A_282, %add3A_288 : vector<16xf32>, vector<16xf32>, vector<16xf32>, vector<16xf32>, vector<16xf32>, vector<16xf32>, vector<16xf32>, vector<16xf32>
        }
        %scan3A_97 = arith.constant 16 : i32
        %add3A_98 = arith.addf %scan3A_96#0, %scan3A_96#1 : vector<16xf32>
        %add3A_99 = arith.addf %scan3A_96#2, %scan3A_96#3 : vector<16xf32>
        %add3A_100 = arith.addf %add3A_98, %add3A_99 : vector<16xf32>
        %add3A_101 = arith.addf %scan3A_96#4, %scan3A_96#5 : vector<16xf32>
        %add3A_102 = arith.addf %scan3A_96#6, %scan3A_96#7 : vector<16xf32>
        %add3A_103 = arith.addf %add3A_101, %add3A_102 : vector<16xf32>
        %add3A_104 = arith.addf %add3A_100, %add3A_103 : vector<16xf32>
        %get3A = arith.index_cast %scan3A_75 : i32 to index
        %get3A_105 = arith.constant 4080 : index
        %get3A_106 = tpu.vector_load %arg4[%get3A, %get3A_105] {strides = array<i32>} : memref<8x4096xf32, #tpu.memory_space<vmem>>, vector<16xf32>,
        %eq3A = arith.constant 15 : i32
        %eq3A_107 = vector.broadcast %eq3A : i32 to vector<16xi32>
        %eq3A_108 = arith.cmpi eq, %iota3A, %eq3A_107 : vector<16xi32>
        %jit3A = arith.constant 0.000000e+00 : f32
        %broadcast_in_dim3A_109 = vector.broadcast %jit3A : f32 to vector<16xf32>
        %select_n3A = arith.select %eq3A_108, %get3A_106, %broadcast_in_dim3A_109 : vector<16xi1>, vector<16xf32>
        %sub3A = arith.subf %add3A_104, %select_n3A : vector<16xf32>
        %reduce_sum3A = arith.constant true
        %reduce_sum3A_110 = vector.broadcast %reduce_sum3A : i1 to vector<16xi1>
        %reduce_sum3A_111 = tpu.scan <sum>, %sub3A masked %reduce_sum3A_110 : vector<16xf32>, vector<16xi1> -> vector<16xf32>
        %reduce_sum3A_112 = vector.extract %reduce_sum3A_111[15] : f32 from vector<16xf32>
        %broadcast_in_dim3A_113 = vector.broadcast %reduce_sum3A_112 : f32 to vector<16xf32>
        %div3A = arith.constant 1.000000e+00 : f32
        %div3A_114 = vector.broadcast %div3A : f32 to vector<16xf32>
        %div3A_115 = arith.divf %div3A_114, %broadcast_in_dim3A_113 : vector<16xf32>
        %broadcast_in_dim3A_116 = arith.constant 1.000000e+00 : f32
        %broadcast_in_dim3A_117 = vector.broadcast %broadcast_in_dim3A_116 : f32 to vector<16xf32>
        %broadcast_in_dim3A_118 = arith.constant 1.000000e+00 : f32
        %broadcast_in_dim3A_119 = vector.broadcast %broadcast_in_dim3A_118 : f32 to vector<16xf32>
        %broadcast_in_dim3A_120 = arith.constant 1.000000e+00 : f32
        %broadcast_in_dim3A_121 = vector.broadcast %broadcast_in_dim3A_120 : f32 to vector<16xf32>
        %broadcast_in_dim3A_122 = arith.constant 1.000000e+00 : f32
        %broadcast_in_dim3A_123 = vector.broadcast %broadcast_in_dim3A_122 : f32 to vector<16xf32>
        %broadcast_in_dim3A_124 = arith.constant 1.000000e+00 : f32
        %broadcast_in_dim3A_125 = vector.broadcast %broadcast_in_dim3A_124 : f32 to vector<16xf32>
        %broadcast_in_dim3A_126 = arith.constant 1.000000e+00 : f32
        %broadcast_in_dim3A_127 = vector.broadcast %broadcast_in_dim3A_126 : f32 to vector<16xf32>
        %broadcast_in_dim3A_128 = arith.constant 1.000000e+00 : f32
        %broadcast_in_dim3A_129 = vector.broadcast %broadcast_in_dim3A_128 : f32 to vector<16xf32>
        %broadcast_in_dim3A_130 = arith.constant 1.000000e+00 : f32
        %broadcast_in_dim3A_131 = vector.broadcast %broadcast_in_dim3A_130 : f32 to vector<16xf32>
        %scan3A_132 = arith.constant 0 : i32
        %scan3A_133 = arith.constant 16 : i32
        %scan3A_134 = arith.addi %scan3A_132, %scan3A_133 : i32
        %scan3A_135 = arith.constant 1 : i32
        %scan3A_136:8 = scf.for %scan3A_181 = %scan3A_132 to %scan3A_134 step %scan3A_135 iter_args(%scan3A_182 = %broadcast_in_dim3A_117, %scan3A_183 = %broadcast_in_dim3A_119, %scan3A_184 = %broadcast_in_dim3A_121, %scan3A_185 = %broadcast_in_dim3A_123, %scan3A_186 = %broadcast_in_dim3A_125, %scan3A_187 = %broadcast_in_dim3A_127, %scan3A_188 = %broadcast_in_dim3A_129, %scan3A_189 = %broadcast_in_dim3A_131) -> (vector<16xf32>, vector<16xf32>, vector<16xf32>, vector<16xf32>, vector<16xf32>, vector<16xf32>, vector<16xf32>, vector<16xf32>)  : i32 {
          %mul3A_190 = arith.constant 256 : i32
          %mul3A_191 = arith.muli %scan3A_181, %mul3A_190 : i32
          %multiple_of3A_192 = tpu.assume_multiple %mul3A_191, 256 : i32
          %add3A_193 = arith.constant 0 : i32
          %add3A_194 = arith.addi %multiple_of3A_192, %add3A_193 : i32
          %get3A_195 = arith.index_cast %scan3A_75 : i32 to index
          %get3A_196 = arith.index_cast %add3A_194 : i32 to index
          %get3A_197 = tpu.vector_load %arg4[%get3A_195, %get3A_196] {strides = array<i32>} : memref<8x4096xf32, #tpu.memory_space<vmem>>, vector<16xf32>,
          %mul3A_198 = arith.mulf %get3A_197, %div3A_115 : vector<16xf32>
          %sub3A_199 = arith.constant 1.000000e+00 : f32
          %sub3A_200 = vector.broadcast %sub3A_199 : f32 to vector<16xf32>
          %sub3A_201 = arith.subf %sub3A_200, %mul3A_198 : vector<16xf32>
          %mul3A_202 = arith.mulf %scan3A_182, %sub3A_201 : vector<16xf32>
          %add3A_203 = arith.constant 16 : i32
          %add3A_204 = arith.addi %multiple_of3A_192, %add3A_203 : i32
          %get3A_205 = arith.index_cast %scan3A_75 : i32 to index
          %get3A_206 = arith.index_cast %add3A_204 : i32 to index
          %get3A_207 = tpu.vector_load %arg4[%get3A_205, %get3A_206] {strides = array<i32>} : memref<8x4096xf32, #tpu.memory_space<vmem>>, vector<16xf32>,
          %mul3A_208 = arith.mulf %get3A_207, %div3A_115 : vector<16xf32>
          %sub3A_209 = arith.constant 1.000000e+00 : f32
          %sub3A_210 = vector.broadcast %sub3A_209 : f32 to vector<16xf32>
          %sub3A_211 = arith.subf %sub3A_210, %mul3A_208 : vector<16xf32>
          %mul3A_212 = arith.mulf %scan3A_183, %sub3A_211 : vector<16xf32>
          %add3A_213 = arith.constant 32 : i32
          %add3A_214 = arith.addi %multiple_of3A_192, %add3A_213 : i32
          %get3A_215 = arith.index_cast %scan3A_75 : i32 to index
          %get3A_216 = arith.index_cast %add3A_214 : i32 to index
          %get3A_217 = tpu.vector_load %arg4[%get3A_215, %get3A_216] {strides = array<i32>} : memref<8x4096xf32, #tpu.memory_space<vmem>>, vector<16xf32>,
          %mul3A_218 = arith.mulf %get3A_217, %div3A_115 : vector<16xf32>
          %sub3A_219 = arith.constant 1.000000e+00 : f32
          %sub3A_220 = vector.broadcast %sub3A_219 : f32 to vector<16xf32>
          %sub3A_221 = arith.subf %sub3A_220, %mul3A_218 : vector<16xf32>
          %mul3A_222 = arith.mulf %scan3A_184, %sub3A_221 : vector<16xf32>
          %add3A_223 = arith.constant 48 : i32
          %add3A_224 = arith.addi %multiple_of3A_192, %add3A_223 : i32
          %get3A_225 = arith.index_cast %scan3A_75 : i32 to index
          %get3A_226 = arith.index_cast %add3A_224 : i32 to index
          %get3A_227 = tpu.vector_load %arg4[%get3A_225, %get3A_226] {strides = array<i32>} : memref<8x4096xf32, #tpu.memory_space<vmem>>, vector<16xf32>,
          %mul3A_228 = arith.mulf %get3A_227, %div3A_115 : vector<16xf32>
          %sub3A_229 = arith.constant 1.000000e+00 : f32
          %sub3A_230 = vector.broadcast %sub3A_229 : f32 to vector<16xf32>
          %sub3A_231 = arith.subf %sub3A_230, %mul3A_228 : vector<16xf32>
          %mul3A_232 = arith.mulf %scan3A_185, %sub3A_231 : vector<16xf32>
          %add3A_233 = arith.constant 64 : i32
          %add3A_234 = arith.addi %multiple_of3A_192, %add3A_233 : i32
          %get3A_235 = arith.index_cast %scan3A_75 : i32 to index
          %get3A_236 = arith.index_cast %add3A_234 : i32 to index
          %get3A_237 = tpu.vector_load %arg4[%get3A_235, %get3A_236] {strides = array<i32>} : memref<8x4096xf32, #tpu.memory_space<vmem>>, vector<16xf32>,
          %mul3A_238 = arith.mulf %get3A_237, %div3A_115 : vector<16xf32>
          %sub3A_239 = arith.constant 1.000000e+00 : f32
          %sub3A_240 = vector.broadcast %sub3A_239 : f32 to vector<16xf32>
          %sub3A_241 = arith.subf %sub3A_240, %mul3A_238 : vector<16xf32>
          %mul3A_242 = arith.mulf %scan3A_186, %sub3A_241 : vector<16xf32>
          %add3A_243 = arith.constant 80 : i32
          %add3A_244 = arith.addi %multiple_of3A_192, %add3A_243 : i32
          %get3A_245 = arith.index_cast %scan3A_75 : i32 to index
          %get3A_246 = arith.index_cast %add3A_244 : i32 to index
          %get3A_247 = tpu.vector_load %arg4[%get3A_245, %get3A_246] {strides = array<i32>} : memref<8x4096xf32, #tpu.memory_space<vmem>>, vector<16xf32>,
          %mul3A_248 = arith.mulf %get3A_247, %div3A_115 : vector<16xf32>
          %sub3A_249 = arith.constant 1.000000e+00 : f32
          %sub3A_250 = vector.broadcast %sub3A_249 : f32 to vector<16xf32>
          %sub3A_251 = arith.subf %sub3A_250, %mul3A_248 : vector<16xf32>
          %mul3A_252 = arith.mulf %scan3A_187, %sub3A_251 : vector<16xf32>
          %add3A_253 = arith.constant 96 : i32
          %add3A_254 = arith.addi %multiple_of3A_192, %add3A_253 : i32
          %get3A_255 = arith.index_cast %scan3A_75 : i32 to index
          %get3A_256 = arith.index_cast %add3A_254 : i32 to index
          %get3A_257 = tpu.vector_load %arg4[%get3A_255, %get3A_256] {strides = array<i32>} : memref<8x4096xf32, #tpu.memory_space<vmem>>, vector<16xf32>,
          %mul3A_258 = arith.mulf %get3A_257, %div3A_115 : vector<16xf32>
          %sub3A_259 = arith.constant 1.000000e+00 : f32
          %sub3A_260 = vector.broadcast %sub3A_259 : f32 to vector<16xf32>
          %sub3A_261 = arith.subf %sub3A_260, %mul3A_258 : vector<16xf32>
          %mul3A_262 = arith.mulf %scan3A_188, %sub3A_261 : vector<16xf32>
          %add3A_263 = arith.constant 112 : i32
          %add3A_264 = arith.addi %multiple_of3A_192, %add3A_263 : i32
          %get3A_265 = arith.index_cast %scan3A_75 : i32 to index
          %get3A_266 = arith.index_cast %add3A_264 : i32 to index
          %get3A_267 = tpu.vector_load %arg4[%get3A_265, %get3A_266] {strides = array<i32>} : memref<8x4096xf32, #tpu.memory_space<vmem>>, vector<16xf32>,
          %mul3A_268 = arith.mulf %get3A_267, %div3A_115 : vector<16xf32>
          %sub3A_269 = arith.constant 1.000000e+00 : f32
          %sub3A_270 = vector.broadcast %sub3A_269 : f32 to vector<16xf32>
          %sub3A_271 = arith.subf %sub3A_270, %mul3A_268 : vector<16xf32>
          %mul3A_272 = arith.mulf %scan3A_189, %sub3A_271 : vector<16xf32>
          %add3A_273 = arith.constant 128 : i32
          %add3A_274 = arith.addi %multiple_of3A_192, %add3A_273 : i32
          %get3A_275 = arith.index_cast %scan3A_75 : i32 to index
          %get3A_276 = arith.index_cast %add3A_274 : i32 to index
          %get3A_277 = tpu.vector_load %arg4[%get3A_275, %get3A_276] {strides = array<i32>} : memref<8x4096xf32, #tpu.memory_space<vmem>>, vector<16xf32>,
          %mul3A_278 = arith.mulf %get3A_277, %div3A_115 : vector<16xf32>
          %sub3A_279 = arith.constant 1.000000e+00 : f32
          %sub3A_280 = vector.broadcast %sub3A_279 : f32 to vector<16xf32>
          %sub3A_281 = arith.subf %sub3A_280, %mul3A_278 : vector<16xf32>
          %mul3A_282 = arith.mulf %mul3A_202, %sub3A_281 : vector<16xf32>
          %add3A_283 = arith.constant 144 : i32
          %add3A_284 = arith.addi %multiple_of3A_192, %add3A_283 : i32
          %get3A_285 = arith.index_cast %scan3A_75 : i32 to index
          %get3A_286 = arith.index_cast %add3A_284 : i32 to index
          %get3A_287 = tpu.vector_load %arg4[%get3A_285, %get3A_286] {strides = array<i32>} : memref<8x4096xf32, #tpu.memory_space<vmem>>, vector<16xf32>,
          %mul3A_288 = arith.mulf %get3A_287, %div3A_115 : vector<16xf32>
          %sub3A_289 = arith.constant 1.000000e+00 : f32
          %sub3A_290 = vector.broadcast %sub3A_289 : f32 to vector<16xf32>
          %sub3A_291 = arith.subf %sub3A_290, %mul3A_288 : vector<16xf32>
          %mul3A_292 = arith.mulf %mul3A_212, %sub3A_291 : vector<16xf32>
          %add3A_293 = arith.constant 160 : i32
          %add3A_294 = arith.addi %multiple_of3A_192, %add3A_293 : i32
          %get3A_295 = arith.index_cast %scan3A_75 : i32 to index
          %get3A_296 = arith.index_cast %add3A_294 : i32 to index
          %get3A_297 = tpu.vector_load %arg4[%get3A_295, %get3A_296] {strides = array<i32>} : memref<8x4096xf32, #tpu.memory_space<vmem>>, vector<16xf32>,
          %mul3A_298 = arith.mulf %get3A_297, %div3A_115 : vector<16xf32>
          %sub3A_299 = arith.constant 1.000000e+00 : f32
          %sub3A_300 = vector.broadcast %sub3A_299 : f32 to vector<16xf32>
          %sub3A_301 = arith.subf %sub3A_300, %mul3A_298 : vector<16xf32>
          %mul3A_302 = arith.mulf %mul3A_222, %sub3A_301 : vector<16xf32>
          %add3A_303 = arith.constant 176 : i32
          %add3A_304 = arith.addi %multiple_of3A_192, %add3A_303 : i32
          %get3A_305 = arith.index_cast %scan3A_75 : i32 to index
          %get3A_306 = arith.index_cast %add3A_304 : i32 to index
          %get3A_307 = tpu.vector_load %arg4[%get3A_305, %get3A_306] {strides = array<i32>} : memref<8x4096xf32, #tpu.memory_space<vmem>>, vector<16xf32>,
          %mul3A_308 = arith.mulf %get3A_307, %div3A_115 : vector<16xf32>
          %sub3A_309 = arith.constant 1.000000e+00 : f32
          %sub3A_310 = vector.broadcast %sub3A_309 : f32 to vector<16xf32>
          %sub3A_311 = arith.subf %sub3A_310, %mul3A_308 : vector<16xf32>
          %mul3A_312 = arith.mulf %mul3A_232, %sub3A_311 : vector<16xf32>
          %add3A_313 = arith.constant 192 : i32
          %add3A_314 = arith.addi %multiple_of3A_192, %add3A_313 : i32
          %get3A_315 = arith.index_cast %scan3A_75 : i32 to index
          %get3A_316 = arith.index_cast %add3A_314 : i32 to index
          %get3A_317 = tpu.vector_load %arg4[%get3A_315, %get3A_316] {strides = array<i32>} : memref<8x4096xf32, #tpu.memory_space<vmem>>, vector<16xf32>,
          %mul3A_318 = arith.mulf %get3A_317, %div3A_115 : vector<16xf32>
          %sub3A_319 = arith.constant 1.000000e+00 : f32
          %sub3A_320 = vector.broadcast %sub3A_319 : f32 to vector<16xf32>
          %sub3A_321 = arith.subf %sub3A_320, %mul3A_318 : vector<16xf32>
          %mul3A_322 = arith.mulf %mul3A_242, %sub3A_321 : vector<16xf32>
          %add3A_323 = arith.constant 208 : i32
          %add3A_324 = arith.addi %multiple_of3A_192, %add3A_323 : i32
          %get3A_325 = arith.index_cast %scan3A_75 : i32 to index
          %get3A_326 = arith.index_cast %add3A_324 : i32 to index
          %get3A_327 = tpu.vector_load %arg4[%get3A_325, %get3A_326] {strides = array<i32>} : memref<8x4096xf32, #tpu.memory_space<vmem>>, vector<16xf32>,
          %mul3A_328 = arith.mulf %get3A_327, %div3A_115 : vector<16xf32>
          %sub3A_329 = arith.constant 1.000000e+00 : f32
          %sub3A_330 = vector.broadcast %sub3A_329 : f32 to vector<16xf32>
          %sub3A_331 = arith.subf %sub3A_330, %mul3A_328 : vector<16xf32>
          %mul3A_332 = arith.mulf %mul3A_252, %sub3A_331 : vector<16xf32>
          %add3A_333 = arith.constant 224 : i32
          %add3A_334 = arith.addi %multiple_of3A_192, %add3A_333 : i32
          %get3A_335 = arith.index_cast %scan3A_75 : i32 to index
          %get3A_336 = arith.index_cast %add3A_334 : i32 to index
          %get3A_337 = tpu.vector_load %arg4[%get3A_335, %get3A_336] {strides = array<i32>} : memref<8x4096xf32, #tpu.memory_space<vmem>>, vector<16xf32>,
          %mul3A_338 = arith.mulf %get3A_337, %div3A_115 : vector<16xf32>
          %sub3A_339 = arith.constant 1.000000e+00 : f32
          %sub3A_340 = vector.broadcast %sub3A_339 : f32 to vector<16xf32>
          %sub3A_341 = arith.subf %sub3A_340, %mul3A_338 : vector<16xf32>
          %mul3A_342 = arith.mulf %mul3A_262, %sub3A_341 : vector<16xf32>
          %add3A_343 = arith.constant 240 : i32
          %add3A_344 = arith.addi %multiple_of3A_192, %add3A_343 : i32
          %get3A_345 = arith.index_cast %scan3A_75 : i32 to index
          %get3A_346 = arith.index_cast %add3A_344 : i32 to index
          %get3A_347 = tpu.vector_load %arg4[%get3A_345, %get3A_346] {strides = array<i32>} : memref<8x4096xf32, #tpu.memory_space<vmem>>, vector<16xf32>,
          %mul3A_348 = arith.mulf %get3A_347, %div3A_115 : vector<16xf32>
          %sub3A_349 = arith.constant 1.000000e+00 : f32
          %sub3A_350 = vector.broadcast %sub3A_349 : f32 to vector<16xf32>
          %sub3A_351 = arith.subf %sub3A_350, %mul3A_348 : vector<16xf32>
          %mul3A_352 = arith.mulf %mul3A_272, %sub3A_351 : vector<16xf32>
          scf.yield %mul3A_282, %mul3A_292, %mul3A_302, %mul3A_312, %mul3A_322, %mul3A_332, %mul3A_342, %mul3A_352 : vector<16xf32>, vector<16xf32>, vector<16xf32>, vector<16xf32>, vector<16xf32>, vector<16xf32>, vector<16xf32>, vector<16xf32>
        }
        %scan3A_137 = arith.constant 16 : i32
        %mul3A_138 = arith.mulf %scan3A_136#0, %scan3A_136#1 : vector<16xf32>
        %mul3A_139 = arith.mulf %scan3A_136#2, %scan3A_136#3 : vector<16xf32>
        %mul3A_140 = arith.mulf %mul3A_138, %mul3A_139 : vector<16xf32>
        %mul3A_141 = arith.mulf %scan3A_136#4, %scan3A_136#5 : vector<16xf32>
        %mul3A_142 = arith.mulf %scan3A_136#6, %scan3A_136#7 : vector<16xf32>
        %mul3A_143 = arith.mulf %mul3A_141, %mul3A_142 : vector<16xf32>
        %mul3A_144 = arith.mulf %mul3A_140, %mul3A_143 : vector<16xf32>
        %get3A_145 = arith.index_cast %scan3A_75 : i32 to index
        %get3A_146 = arith.constant 0 : index
        %get3A_147 = tpu.vector_load %arg4[%get3A_145, %get3A_146] {strides = array<i32>} : memref<8x4096xf32, #tpu.memory_space<vmem>>, vector<16xf32>,
        %mul3A_148 = arith.mulf %get3A_147, %div3A_115 : vector<16xf32>
        %eq3A_149 = arith.constant 0 : i32
        %eq3A_150 = vector.broadcast %eq3A_149 : i32 to vector<16xi32>
        %eq3A_151 = arith.cmpi eq, %iota3A, %eq3A_150 : vector<16xi32>
        %sub3A_152 = arith.constant 1.000000e+00 : f32
        %sub3A_153 = vector.broadcast %sub3A_152 : f32 to vector<16xf32>
        %sub3A_154 = arith.subf %sub3A_153, %mul3A_148 : vector<16xf32>
        %div3A_155 = arith.divf %mul3A_148, %sub3A_154 : vector<16xf32>
        %jit3A_156 = arith.constant 1.000000e+00 : f32
        %broadcast_in_dim3A_157 = vector.broadcast %jit3A_156 : f32 to vector<16xf32>
        %select_n3A_158 = arith.select %eq3A_151, %div3A_155, %broadcast_in_dim3A_157 : vector<16xi1>, vector<16xf32>
        %mul3A_159 = arith.mulf %get3A_106, %div3A_115 : vector<16xf32>
        %eq3A_160 = arith.constant 15 : i32
        %eq3A_161 = vector.broadcast %eq3A_160 : i32 to vector<16xi32>
        %eq3A_162 = arith.cmpi eq, %iota3A, %eq3A_161 : vector<16xi32>
        %sub3A_163 = arith.constant 1.000000e+00 : f32
        %sub3A_164 = vector.broadcast %sub3A_163 : f32 to vector<16xf32>
        %sub3A_165 = arith.subf %sub3A_164, %mul3A_159 : vector<16xf32>
        %div3A_166 = arith.constant 1.000000e+00 : f32
        %div3A_167 = vector.broadcast %div3A_166 : f32 to vector<16xf32>
        %div3A_168 = arith.divf %div3A_167, %sub3A_165 : vector<16xf32>
        %jit3A_169 = arith.constant 1.000000e+00 : f32
        %broadcast_in_dim3A_170 = vector.broadcast %jit3A_169 : f32 to vector<16xf32>
        %select_n3A_171 = arith.select %eq3A_162, %div3A_168, %broadcast_in_dim3A_170 : vector<16xi1>, vector<16xf32>
        %mul3A_172 = arith.constant 8 : i32
        %mul3A_173 = arith.muli %add3A_31, %mul3A_172 : i32
        %add3A_174 = arith.addi %mul3A_173, %scan3A_75 : i32
        %mul3A_175 = arith.constant 16 : i32
        %mul3A_176 = arith.muli %add3A_174, %mul3A_175 : i32
        %multiple_of3A = tpu.assume_multiple %mul3A_176, 16 : i32
        %mul3A_177 = arith.mulf %mul3A_144, %select_n3A_158 : vector<16xf32>
        %mul3A_178 = arith.mulf %mul3A_177, %select_n3A_171 : vector<16xf32>
        %swap3A = arith.index_cast %multiple_of3A : i32 to index
        %swap3A_179 = tpu.vector_load %arg6[%swap3A] {strides = array<i32>} : memref<512xf32, #tpu.memory_space<vmem>>, vector<16xf32>,
        tpu.vector_store %arg6[%swap3A], %mul3A_178 {strides = array<i32>} : memref<512xf32, #tpu.memory_space<vmem>>, vector<16xf32>,
        %scan3A_180 = arith.constant 0 : i32
        scf.yield %scan3A_180 : i32
      }
      %scan3A_44 = arith.constant 8 : i32
      %add3A_45 = arith.constant 2 : i32
      %add3A_46 = arith.addi %add3A_31, %add3A_45 : i32
      %lt3A = arith.constant 4 : i32
      %lt3A_47 = arith.cmpi slt, %add3A_46, %lt3A : i32
      %convert_element_type3A = arith.extui %lt3A_47 : i1 to i32
      %cond3A = arith.constant 0 : i32
      %cond3A_48 = arith.cmpi ne, %convert_element_type3A, %cond3A : i32
      scf.if %cond3A_48 {
        %add3A_75 = arith.constant 2 : i32
        %add3A_76 = arith.addi %add3A_31, %add3A_75 : i32
        %mul3A_77 = arith.constant 8 : i32
        %mul3A_78 = arith.muli %add3A_76, %mul3A_77 : i32
        %add3A_79 = arith.addi %add3A_4, %mul3A_78 : i32
        %dma_start3A_80 = arith.constant 0 : i32
        %dma_start3A_81 = tpu.memref_slice %arg2[%add3A_79, %dma_start3A_80] : memref<4096x4096xf32, #tpu.memory_space<hbm>> -> memref<8x4096xf32, #tpu.memory_space<hbm>>
        %dma_start3A_82 = arith.constant 0 : i32
        %dma_start3A_83 = tpu.memref_slice %arg2[%add3A_79, %dma_start3A_82] : memref<4096x4096xf32, #tpu.memory_space<hbm>> -> memref<8x4096xf32, #tpu.memory_space<hbm>>
        tpu.enqueue_dma source(%dma_start3A_83 : memref<8x4096xf32, #tpu.memory_space<hbm>>) target(%arg4 : memref<8x4096xf32, #tpu.memory_space<vmem>>) target_semaphore(%arg7 : memref<!tpu.dma_semaphore, #tpu.memory_space<semaphore_mem>>)
      } else {
      }
      %mul3A_49 = arith.constant 2 : i32
      %mul3A_50 = arith.muli %mul3A_49, %scan3A_26 : i32
      %add3A_51 = arith.constant 1 : i32
      %add3A_52 = arith.addi %mul3A_50, %add3A_51 : i32
      %mul3A_53 = arith.constant 8 : i32
      %mul3A_54 = arith.muli %add3A_52, %mul3A_53 : i32
      %add3A_55 = arith.addi %add3A_4, %mul3A_54 : i32
      %dma_wait3A_56 = arith.constant 0 : i32
      %dma_wait3A_57 = tpu.memref_slice %arg2[%add3A_55, %dma_wait3A_56] : memref<4096x4096xf32, #tpu.memory_space<hbm>> -> memref<8x4096xf32, #tpu.memory_space<hbm>>
      %dma_wait3A_58 = arith.constant 0 : i32
      %dma_wait3A_59 = tpu.memref_slice %arg2[%add3A_55, %dma_wait3A_58] : memref<4096x4096xf32, #tpu.memory_space<hbm>> -> memref<8x4096xf32, #tpu.memory_space<hbm>>
      tpu.wait_dma2 semaphore(%arg8 : memref<!tpu.dma_semaphore, #tpu.memory_space<semaphore_mem>>) src(%dma_wait3A_59 : memref<8x4096xf32, #tpu.memory_space<hbm>>) dst(%arg5 : memref<8x4096xf32, #tpu.memory_space<vmem>>)
      %scan3A_60 = arith.constant 0 : i32
      %scan3A_61 = arith.constant 0 : i32
      %scan3A_62 = arith.constant 8 : i32
      %scan3A_63 = arith.addi %scan3A_61, %scan3A_62 : i32
      %scan3A_64 = arith.constant 1 : i32
      %scan3A_65 = scf.for %scan3A_75 = %scan3A_61 to %scan3A_63 step %scan3A_64 iter_args(%scan3A_76 = %scan3A_60) -> (i32)  : i32 {
        %broadcast_in_dim3A = arith.constant 0.000000e+00 : f32
        %broadcast_in_dim3A_77 = vector.broadcast %broadcast_in_dim3A : f32 to vector<16xf32>
        %broadcast_in_dim3A_78 = arith.constant 0.000000e+00 : f32
        %broadcast_in_dim3A_79 = vector.broadcast %broadcast_in_dim3A_78 : f32 to vector<16xf32>
        %broadcast_in_dim3A_80 = arith.constant 0.000000e+00 : f32
        %broadcast_in_dim3A_81 = vector.broadcast %broadcast_in_dim3A_80 : f32 to vector<16xf32>
        %broadcast_in_dim3A_82 = arith.constant 0.000000e+00 : f32
        %broadcast_in_dim3A_83 = vector.broadcast %broadcast_in_dim3A_82 : f32 to vector<16xf32>
        %broadcast_in_dim3A_84 = arith.constant 0.000000e+00 : f32
        %broadcast_in_dim3A_85 = vector.broadcast %broadcast_in_dim3A_84 : f32 to vector<16xf32>
        %broadcast_in_dim3A_86 = arith.constant 0.000000e+00 : f32
        %broadcast_in_dim3A_87 = vector.broadcast %broadcast_in_dim3A_86 : f32 to vector<16xf32>
        %broadcast_in_dim3A_88 = arith.constant 0.000000e+00 : f32
        %broadcast_in_dim3A_89 = vector.broadcast %broadcast_in_dim3A_88 : f32 to vector<16xf32>
        %broadcast_in_dim3A_90 = arith.constant 0.000000e+00 : f32
        %broadcast_in_dim3A_91 = vector.broadcast %broadcast_in_dim3A_90 : f32 to vector<16xf32>
        %scan3A_92 = arith.constant 0 : i32
        %scan3A_93 = arith.constant 16 : i32
        %scan3A_94 = arith.addi %scan3A_92, %scan3A_93 : i32
        %scan3A_95 = arith.constant 1 : i32
        %scan3A_96:8 = scf.for %scan3A_181 = %scan3A_92 to %scan3A_94 step %scan3A_95 iter_args(%scan3A_182 = %broadcast_in_dim3A_77, %scan3A_183 = %broadcast_in_dim3A_79, %scan3A_184 = %broadcast_in_dim3A_81, %scan3A_185 = %broadcast_in_dim3A_83, %scan3A_186 = %broadcast_in_dim3A_85, %scan3A_187 = %broadcast_in_dim3A_87, %scan3A_188 = %broadcast_in_dim3A_89, %scan3A_189 = %broadcast_in_dim3A_91) -> (vector<16xf32>, vector<16xf32>, vector<16xf32>, vector<16xf32>, vector<16xf32>, vector<16xf32>, vector<16xf32>, vector<16xf32>)  : i32 {
          %mul3A_190 = arith.constant 256 : i32
          %mul3A_191 = arith.muli %scan3A_181, %mul3A_190 : i32
          %multiple_of3A_192 = tpu.assume_multiple %mul3A_191, 256 : i32
          %add3A_193 = arith.constant 0 : i32
          %add3A_194 = arith.addi %multiple_of3A_192, %add3A_193 : i32
          %get3A_195 = arith.index_cast %scan3A_75 : i32 to index
          %get3A_196 = arith.index_cast %add3A_194 : i32 to index
          %get3A_197 = tpu.vector_load %arg5[%get3A_195, %get3A_196] {strides = array<i32>} : memref<8x4096xf32, #tpu.memory_space<vmem>>, vector<16xf32>,
          %add3A_198 = arith.addf %scan3A_182, %get3A_197 : vector<16xf32>
          %add3A_199 = arith.constant 16 : i32
          %add3A_200 = arith.addi %multiple_of3A_192, %add3A_199 : i32
          %get3A_201 = arith.index_cast %scan3A_75 : i32 to index
          %get3A_202 = arith.index_cast %add3A_200 : i32 to index
          %get3A_203 = tpu.vector_load %arg5[%get3A_201, %get3A_202] {strides = array<i32>} : memref<8x4096xf32, #tpu.memory_space<vmem>>, vector<16xf32>,
          %add3A_204 = arith.addf %scan3A_183, %get3A_203 : vector<16xf32>
          %add3A_205 = arith.constant 32 : i32
          %add3A_206 = arith.addi %multiple_of3A_192, %add3A_205 : i32
          %get3A_207 = arith.index_cast %scan3A_75 : i32 to index
          %get3A_208 = arith.index_cast %add3A_206 : i32 to index
          %get3A_209 = tpu.vector_load %arg5[%get3A_207, %get3A_208] {strides = array<i32>} : memref<8x4096xf32, #tpu.memory_space<vmem>>, vector<16xf32>,
          %add3A_210 = arith.addf %scan3A_184, %get3A_209 : vector<16xf32>
          %add3A_211 = arith.constant 48 : i32
          %add3A_212 = arith.addi %multiple_of3A_192, %add3A_211 : i32
          %get3A_213 = arith.index_cast %scan3A_75 : i32 to index
          %get3A_214 = arith.index_cast %add3A_212 : i32 to index
          %get3A_215 = tpu.vector_load %arg5[%get3A_213, %get3A_214] {strides = array<i32>} : memref<8x4096xf32, #tpu.memory_space<vmem>>, vector<16xf32>,
          %add3A_216 = arith.addf %scan3A_185, %get3A_215 : vector<16xf32>
          %add3A_217 = arith.constant 64 : i32
          %add3A_218 = arith.addi %multiple_of3A_192, %add3A_217 : i32
          %get3A_219 = arith.index_cast %scan3A_75 : i32 to index
          %get3A_220 = arith.index_cast %add3A_218 : i32 to index
          %get3A_221 = tpu.vector_load %arg5[%get3A_219, %get3A_220] {strides = array<i32>} : memref<8x4096xf32, #tpu.memory_space<vmem>>, vector<16xf32>,
          %add3A_222 = arith.addf %scan3A_186, %get3A_221 : vector<16xf32>
          %add3A_223 = arith.constant 80 : i32
          %add3A_224 = arith.addi %multiple_of3A_192, %add3A_223 : i32
          %get3A_225 = arith.index_cast %scan3A_75 : i32 to index
          %get3A_226 = arith.index_cast %add3A_224 : i32 to index
          %get3A_227 = tpu.vector_load %arg5[%get3A_225, %get3A_226] {strides = array<i32>} : memref<8x4096xf32, #tpu.memory_space<vmem>>, vector<16xf32>,
          %add3A_228 = arith.addf %scan3A_187, %get3A_227 : vector<16xf32>
          %add3A_229 = arith.constant 96 : i32
          %add3A_230 = arith.addi %multiple_of3A_192, %add3A_229 : i32
          %get3A_231 = arith.index_cast %scan3A_75 : i32 to index
          %get3A_232 = arith.index_cast %add3A_230 : i32 to index
          %get3A_233 = tpu.vector_load %arg5[%get3A_231, %get3A_232] {strides = array<i32>} : memref<8x4096xf32, #tpu.memory_space<vmem>>, vector<16xf32>,
          %add3A_234 = arith.addf %scan3A_188, %get3A_233 : vector<16xf32>
          %add3A_235 = arith.constant 112 : i32
          %add3A_236 = arith.addi %multiple_of3A_192, %add3A_235 : i32
          %get3A_237 = arith.index_cast %scan3A_75 : i32 to index
          %get3A_238 = arith.index_cast %add3A_236 : i32 to index
          %get3A_239 = tpu.vector_load %arg5[%get3A_237, %get3A_238] {strides = array<i32>} : memref<8x4096xf32, #tpu.memory_space<vmem>>, vector<16xf32>,
          %add3A_240 = arith.addf %scan3A_189, %get3A_239 : vector<16xf32>
          %add3A_241 = arith.constant 128 : i32
          %add3A_242 = arith.addi %multiple_of3A_192, %add3A_241 : i32
          %get3A_243 = arith.index_cast %scan3A_75 : i32 to index
          %get3A_244 = arith.index_cast %add3A_242 : i32 to index
          %get3A_245 = tpu.vector_load %arg5[%get3A_243, %get3A_244] {strides = array<i32>} : memref<8x4096xf32, #tpu.memory_space<vmem>>, vector<16xf32>,
          %add3A_246 = arith.addf %add3A_198, %get3A_245 : vector<16xf32>
          %add3A_247 = arith.constant 144 : i32
          %add3A_248 = arith.addi %multiple_of3A_192, %add3A_247 : i32
          %get3A_249 = arith.index_cast %scan3A_75 : i32 to index
          %get3A_250 = arith.index_cast %add3A_248 : i32 to index
          %get3A_251 = tpu.vector_load %arg5[%get3A_249, %get3A_250] {strides = array<i32>} : memref<8x4096xf32, #tpu.memory_space<vmem>>, vector<16xf32>,
          %add3A_252 = arith.addf %add3A_204, %get3A_251 : vector<16xf32>
          %add3A_253 = arith.constant 160 : i32
          %add3A_254 = arith.addi %multiple_of3A_192, %add3A_253 : i32
          %get3A_255 = arith.index_cast %scan3A_75 : i32 to index
          %get3A_256 = arith.index_cast %add3A_254 : i32 to index
          %get3A_257 = tpu.vector_load %arg5[%get3A_255, %get3A_256] {strides = array<i32>} : memref<8x4096xf32, #tpu.memory_space<vmem>>, vector<16xf32>,
          %add3A_258 = arith.addf %add3A_210, %get3A_257 : vector<16xf32>
          %add3A_259 = arith.constant 176 : i32
          %add3A_260 = arith.addi %multiple_of3A_192, %add3A_259 : i32
          %get3A_261 = arith.index_cast %scan3A_75 : i32 to index
          %get3A_262 = arith.index_cast %add3A_260 : i32 to index
          %get3A_263 = tpu.vector_load %arg5[%get3A_261, %get3A_262] {strides = array<i32>} : memref<8x4096xf32, #tpu.memory_space<vmem>>, vector<16xf32>,
          %add3A_264 = arith.addf %add3A_216, %get3A_263 : vector<16xf32>
          %add3A_265 = arith.constant 192 : i32
          %add3A_266 = arith.addi %multiple_of3A_192, %add3A_265 : i32
          %get3A_267 = arith.index_cast %scan3A_75 : i32 to index
          %get3A_268 = arith.index_cast %add3A_266 : i32 to index
          %get3A_269 = tpu.vector_load %arg5[%get3A_267, %get3A_268] {strides = array<i32>} : memref<8x4096xf32, #tpu.memory_space<vmem>>, vector<16xf32>,
          %add3A_270 = arith.addf %add3A_222, %get3A_269 : vector<16xf32>
          %add3A_271 = arith.constant 208 : i32
          %add3A_272 = arith.addi %multiple_of3A_192, %add3A_271 : i32
          %get3A_273 = arith.index_cast %scan3A_75 : i32 to index
          %get3A_274 = arith.index_cast %add3A_272 : i32 to index
          %get3A_275 = tpu.vector_load %arg5[%get3A_273, %get3A_274] {strides = array<i32>} : memref<8x4096xf32, #tpu.memory_space<vmem>>, vector<16xf32>,
          %add3A_276 = arith.addf %add3A_228, %get3A_275 : vector<16xf32>
          %add3A_277 = arith.constant 224 : i32
          %add3A_278 = arith.addi %multiple_of3A_192, %add3A_277 : i32
          %get3A_279 = arith.index_cast %scan3A_75 : i32 to index
          %get3A_280 = arith.index_cast %add3A_278 : i32 to index
          %get3A_281 = tpu.vector_load %arg5[%get3A_279, %get3A_280] {strides = array<i32>} : memref<8x4096xf32, #tpu.memory_space<vmem>>, vector<16xf32>,
          %add3A_282 = arith.addf %add3A_234, %get3A_281 : vector<16xf32>
          %add3A_283 = arith.constant 240 : i32
          %add3A_284 = arith.addi %multiple_of3A_192, %add3A_283 : i32
          %get3A_285 = arith.index_cast %scan3A_75 : i32 to index
          %get3A_286 = arith.index_cast %add3A_284 : i32 to index
          %get3A_287 = tpu.vector_load %arg5[%get3A_285, %get3A_286] {strides = array<i32>} : memref<8x4096xf32, #tpu.memory_space<vmem>>, vector<16xf32>,
          %add3A_288 = arith.addf %add3A_240, %get3A_287 : vector<16xf32>
          scf.yield %add3A_246, %add3A_252, %add3A_258, %add3A_264, %add3A_270, %add3A_276, %add3A_282, %add3A_288 : vector<16xf32>, vector<16xf32>, vector<16xf32>, vector<16xf32>, vector<16xf32>, vector<16xf32>, vector<16xf32>, vector<16xf32>
        }
        %scan3A_97 = arith.constant 16 : i32
        %add3A_98 = arith.addf %scan3A_96#0, %scan3A_96#1 : vector<16xf32>
        %add3A_99 = arith.addf %scan3A_96#2, %scan3A_96#3 : vector<16xf32>
        %add3A_100 = arith.addf %add3A_98, %add3A_99 : vector<16xf32>
        %add3A_101 = arith.addf %scan3A_96#4, %scan3A_96#5 : vector<16xf32>
        %add3A_102 = arith.addf %scan3A_96#6, %scan3A_96#7 : vector<16xf32>
        %add3A_103 = arith.addf %add3A_101, %add3A_102 : vector<16xf32>
        %add3A_104 = arith.addf %add3A_100, %add3A_103 : vector<16xf32>
        %get3A = arith.index_cast %scan3A_75 : i32 to index
        %get3A_105 = arith.constant 4080 : index
        %get3A_106 = tpu.vector_load %arg5[%get3A, %get3A_105] {strides = array<i32>} : memref<8x4096xf32, #tpu.memory_space<vmem>>, vector<16xf32>,
        %eq3A = arith.constant 15 : i32
        %eq3A_107 = vector.broadcast %eq3A : i32 to vector<16xi32>
        %eq3A_108 = arith.cmpi eq, %iota3A, %eq3A_107 : vector<16xi32>
        %jit3A = arith.constant 0.000000e+00 : f32
        %broadcast_in_dim3A_109 = vector.broadcast %jit3A : f32 to vector<16xf32>
        %select_n3A = arith.select %eq3A_108, %get3A_106, %broadcast_in_dim3A_109 : vector<16xi1>, vector<16xf32>
        %sub3A = arith.subf %add3A_104, %select_n3A : vector<16xf32>
        %reduce_sum3A = arith.constant true
        %reduce_sum3A_110 = vector.broadcast %reduce_sum3A : i1 to vector<16xi1>
        %reduce_sum3A_111 = tpu.scan <sum>, %sub3A masked %reduce_sum3A_110 : vector<16xf32>, vector<16xi1> -> vector<16xf32>
        %reduce_sum3A_112 = vector.extract %reduce_sum3A_111[15] : f32 from vector<16xf32>
        %broadcast_in_dim3A_113 = vector.broadcast %reduce_sum3A_112 : f32 to vector<16xf32>
        %div3A = arith.constant 1.000000e+00 : f32
        %div3A_114 = vector.broadcast %div3A : f32 to vector<16xf32>
        %div3A_115 = arith.divf %div3A_114, %broadcast_in_dim3A_113 : vector<16xf32>
        %broadcast_in_dim3A_116 = arith.constant 1.000000e+00 : f32
        %broadcast_in_dim3A_117 = vector.broadcast %broadcast_in_dim3A_116 : f32 to vector<16xf32>
        %broadcast_in_dim3A_118 = arith.constant 1.000000e+00 : f32
        %broadcast_in_dim3A_119 = vector.broadcast %broadcast_in_dim3A_118 : f32 to vector<16xf32>
        %broadcast_in_dim3A_120 = arith.constant 1.000000e+00 : f32
        %broadcast_in_dim3A_121 = vector.broadcast %broadcast_in_dim3A_120 : f32 to vector<16xf32>
        %broadcast_in_dim3A_122 = arith.constant 1.000000e+00 : f32
        %broadcast_in_dim3A_123 = vector.broadcast %broadcast_in_dim3A_122 : f32 to vector<16xf32>
        %broadcast_in_dim3A_124 = arith.constant 1.000000e+00 : f32
        %broadcast_in_dim3A_125 = vector.broadcast %broadcast_in_dim3A_124 : f32 to vector<16xf32>
        %broadcast_in_dim3A_126 = arith.constant 1.000000e+00 : f32
        %broadcast_in_dim3A_127 = vector.broadcast %broadcast_in_dim3A_126 : f32 to vector<16xf32>
        %broadcast_in_dim3A_128 = arith.constant 1.000000e+00 : f32
        %broadcast_in_dim3A_129 = vector.broadcast %broadcast_in_dim3A_128 : f32 to vector<16xf32>
        %broadcast_in_dim3A_130 = arith.constant 1.000000e+00 : f32
        %broadcast_in_dim3A_131 = vector.broadcast %broadcast_in_dim3A_130 : f32 to vector<16xf32>
        %scan3A_132 = arith.constant 0 : i32
        %scan3A_133 = arith.constant 16 : i32
        %scan3A_134 = arith.addi %scan3A_132, %scan3A_133 : i32
        %scan3A_135 = arith.constant 1 : i32
        %scan3A_136:8 = scf.for %scan3A_181 = %scan3A_132 to %scan3A_134 step %scan3A_135 iter_args(%scan3A_182 = %broadcast_in_dim3A_117, %scan3A_183 = %broadcast_in_dim3A_119, %scan3A_184 = %broadcast_in_dim3A_121, %scan3A_185 = %broadcast_in_dim3A_123, %scan3A_186 = %broadcast_in_dim3A_125, %scan3A_187 = %broadcast_in_dim3A_127, %scan3A_188 = %broadcast_in_dim3A_129, %scan3A_189 = %broadcast_in_dim3A_131) -> (vector<16xf32>, vector<16xf32>, vector<16xf32>, vector<16xf32>, vector<16xf32>, vector<16xf32>, vector<16xf32>, vector<16xf32>)  : i32 {
          %mul3A_190 = arith.constant 256 : i32
          %mul3A_191 = arith.muli %scan3A_181, %mul3A_190 : i32
          %multiple_of3A_192 = tpu.assume_multiple %mul3A_191, 256 : i32
          %add3A_193 = arith.constant 0 : i32
          %add3A_194 = arith.addi %multiple_of3A_192, %add3A_193 : i32
          %get3A_195 = arith.index_cast %scan3A_75 : i32 to index
          %get3A_196 = arith.index_cast %add3A_194 : i32 to index
          %get3A_197 = tpu.vector_load %arg5[%get3A_195, %get3A_196] {strides = array<i32>} : memref<8x4096xf32, #tpu.memory_space<vmem>>, vector<16xf32>,
          %mul3A_198 = arith.mulf %get3A_197, %div3A_115 : vector<16xf32>
          %sub3A_199 = arith.constant 1.000000e+00 : f32
          %sub3A_200 = vector.broadcast %sub3A_199 : f32 to vector<16xf32>
          %sub3A_201 = arith.subf %sub3A_200, %mul3A_198 : vector<16xf32>
          %mul3A_202 = arith.mulf %scan3A_182, %sub3A_201 : vector<16xf32>
          %add3A_203 = arith.constant 16 : i32
          %add3A_204 = arith.addi %multiple_of3A_192, %add3A_203 : i32
          %get3A_205 = arith.index_cast %scan3A_75 : i32 to index
          %get3A_206 = arith.index_cast %add3A_204 : i32 to index
          %get3A_207 = tpu.vector_load %arg5[%get3A_205, %get3A_206] {strides = array<i32>} : memref<8x4096xf32, #tpu.memory_space<vmem>>, vector<16xf32>,
          %mul3A_208 = arith.mulf %get3A_207, %div3A_115 : vector<16xf32>
          %sub3A_209 = arith.constant 1.000000e+00 : f32
          %sub3A_210 = vector.broadcast %sub3A_209 : f32 to vector<16xf32>
          %sub3A_211 = arith.subf %sub3A_210, %mul3A_208 : vector<16xf32>
          %mul3A_212 = arith.mulf %scan3A_183, %sub3A_211 : vector<16xf32>
          %add3A_213 = arith.constant 32 : i32
          %add3A_214 = arith.addi %multiple_of3A_192, %add3A_213 : i32
          %get3A_215 = arith.index_cast %scan3A_75 : i32 to index
          %get3A_216 = arith.index_cast %add3A_214 : i32 to index
          %get3A_217 = tpu.vector_load %arg5[%get3A_215, %get3A_216] {strides = array<i32>} : memref<8x4096xf32, #tpu.memory_space<vmem>>, vector<16xf32>,
          %mul3A_218 = arith.mulf %get3A_217, %div3A_115 : vector<16xf32>
          %sub3A_219 = arith.constant 1.000000e+00 : f32
          %sub3A_220 = vector.broadcast %sub3A_219 : f32 to vector<16xf32>
          %sub3A_221 = arith.subf %sub3A_220, %mul3A_218 : vector<16xf32>
          %mul3A_222 = arith.mulf %scan3A_184, %sub3A_221 : vector<16xf32>
          %add3A_223 = arith.constant 48 : i32
          %add3A_224 = arith.addi %multiple_of3A_192, %add3A_223 : i32
          %get3A_225 = arith.index_cast %scan3A_75 : i32 to index
          %get3A_226 = arith.index_cast %add3A_224 : i32 to index
          %get3A_227 = tpu.vector_load %arg5[%get3A_225, %get3A_226] {strides = array<i32>} : memref<8x4096xf32, #tpu.memory_space<vmem>>, vector<16xf32>,
          %mul3A_228 = arith.mulf %get3A_227, %div3A_115 : vector<16xf32>
          %sub3A_229 = arith.constant 1.000000e+00 : f32
          %sub3A_230 = vector.broadcast %sub3A_229 : f32 to vector<16xf32>
          %sub3A_231 = arith.subf %sub3A_230, %mul3A_228 : vector<16xf32>
          %mul3A_232 = arith.mulf %scan3A_185, %sub3A_231 : vector<16xf32>
          %add3A_233 = arith.constant 64 : i32
          %add3A_234 = arith.addi %multiple_of3A_192, %add3A_233 : i32
          %get3A_235 = arith.index_cast %scan3A_75 : i32 to index
          %get3A_236 = arith.index_cast %add3A_234 : i32 to index
          %get3A_237 = tpu.vector_load %arg5[%get3A_235, %get3A_236] {strides = array<i32>} : memref<8x4096xf32, #tpu.memory_space<vmem>>, vector<16xf32>,
          %mul3A_238 = arith.mulf %get3A_237, %div3A_115 : vector<16xf32>
          %sub3A_239 = arith.constant 1.000000e+00 : f32
          %sub3A_240 = vector.broadcast %sub3A_239 : f32 to vector<16xf32>
          %sub3A_241 = arith.subf %sub3A_240, %mul3A_238 : vector<16xf32>
          %mul3A_242 = arith.mulf %scan3A_186, %sub3A_241 : vector<16xf32>
          %add3A_243 = arith.constant 80 : i32
          %add3A_244 = arith.addi %multiple_of3A_192, %add3A_243 : i32
          %get3A_245 = arith.index_cast %scan3A_75 : i32 to index
          %get3A_246 = arith.index_cast %add3A_244 : i32 to index
          %get3A_247 = tpu.vector_load %arg5[%get3A_245, %get3A_246] {strides = array<i32>} : memref<8x4096xf32, #tpu.memory_space<vmem>>, vector<16xf32>,
          %mul3A_248 = arith.mulf %get3A_247, %div3A_115 : vector<16xf32>
          %sub3A_249 = arith.constant 1.000000e+00 : f32
          %sub3A_250 = vector.broadcast %sub3A_249 : f32 to vector<16xf32>
          %sub3A_251 = arith.subf %sub3A_250, %mul3A_248 : vector<16xf32>
          %mul3A_252 = arith.mulf %scan3A_187, %sub3A_251 : vector<16xf32>
          %add3A_253 = arith.constant 96 : i32
          %add3A_254 = arith.addi %multiple_of3A_192, %add3A_253 : i32
          %get3A_255 = arith.index_cast %scan3A_75 : i32 to index
          %get3A_256 = arith.index_cast %add3A_254 : i32 to index
          %get3A_257 = tpu.vector_load %arg5[%get3A_255, %get3A_256] {strides = array<i32>} : memref<8x4096xf32, #tpu.memory_space<vmem>>, vector<16xf32>,
          %mul3A_258 = arith.mulf %get3A_257, %div3A_115 : vector<16xf32>
          %sub3A_259 = arith.constant 1.000000e+00 : f32
          %sub3A_260 = vector.broadcast %sub3A_259 : f32 to vector<16xf32>
          %sub3A_261 = arith.subf %sub3A_260, %mul3A_258 : vector<16xf32>
          %mul3A_262 = arith.mulf %scan3A_188, %sub3A_261 : vector<16xf32>
          %add3A_263 = arith.constant 112 : i32
          %add3A_264 = arith.addi %multiple_of3A_192, %add3A_263 : i32
          %get3A_265 = arith.index_cast %scan3A_75 : i32 to index
          %get3A_266 = arith.index_cast %add3A_264 : i32 to index
          %get3A_267 = tpu.vector_load %arg5[%get3A_265, %get3A_266] {strides = array<i32>} : memref<8x4096xf32, #tpu.memory_space<vmem>>, vector<16xf32>,
          %mul3A_268 = arith.mulf %get3A_267, %div3A_115 : vector<16xf32>
          %sub3A_269 = arith.constant 1.000000e+00 : f32
          %sub3A_270 = vector.broadcast %sub3A_269 : f32 to vector<16xf32>
          %sub3A_271 = arith.subf %sub3A_270, %mul3A_268 : vector<16xf32>
          %mul3A_272 = arith.mulf %scan3A_189, %sub3A_271 : vector<16xf32>
          %add3A_273 = arith.constant 128 : i32
          %add3A_274 = arith.addi %multiple_of3A_192, %add3A_273 : i32
          %get3A_275 = arith.index_cast %scan3A_75 : i32 to index
          %get3A_276 = arith.index_cast %add3A_274 : i32 to index
          %get3A_277 = tpu.vector_load %arg5[%get3A_275, %get3A_276] {strides = array<i32>} : memref<8x4096xf32, #tpu.memory_space<vmem>>, vector<16xf32>,
          %mul3A_278 = arith.mulf %get3A_277, %div3A_115 : vector<16xf32>
          %sub3A_279 = arith.constant 1.000000e+00 : f32
          %sub3A_280 = vector.broadcast %sub3A_279 : f32 to vector<16xf32>
          %sub3A_281 = arith.subf %sub3A_280, %mul3A_278 : vector<16xf32>
          %mul3A_282 = arith.mulf %mul3A_202, %sub3A_281 : vector<16xf32>
          %add3A_283 = arith.constant 144 : i32
          %add3A_284 = arith.addi %multiple_of3A_192, %add3A_283 : i32
          %get3A_285 = arith.index_cast %scan3A_75 : i32 to index
          %get3A_286 = arith.index_cast %add3A_284 : i32 to index
          %get3A_287 = tpu.vector_load %arg5[%get3A_285, %get3A_286] {strides = array<i32>} : memref<8x4096xf32, #tpu.memory_space<vmem>>, vector<16xf32>,
          %mul3A_288 = arith.mulf %get3A_287, %div3A_115 : vector<16xf32>
          %sub3A_289 = arith.constant 1.000000e+00 : f32
          %sub3A_290 = vector.broadcast %sub3A_289 : f32 to vector<16xf32>
          %sub3A_291 = arith.subf %sub3A_290, %mul3A_288 : vector<16xf32>
          %mul3A_292 = arith.mulf %mul3A_212, %sub3A_291 : vector<16xf32>
          %add3A_293 = arith.constant 160 : i32
          %add3A_294 = arith.addi %multiple_of3A_192, %add3A_293 : i32
          %get3A_295 = arith.index_cast %scan3A_75 : i32 to index
          %get3A_296 = arith.index_cast %add3A_294 : i32 to index
          %get3A_297 = tpu.vector_load %arg5[%get3A_295, %get3A_296] {strides = array<i32>} : memref<8x4096xf32, #tpu.memory_space<vmem>>, vector<16xf32>,
          %mul3A_298 = arith.mulf %get3A_297, %div3A_115 : vector<16xf32>
          %sub3A_299 = arith.constant 1.000000e+00 : f32
          %sub3A_300 = vector.broadcast %sub3A_299 : f32 to vector<16xf32>
          %sub3A_301 = arith.subf %sub3A_300, %mul3A_298 : vector<16xf32>
          %mul3A_302 = arith.mulf %mul3A_222, %sub3A_301 : vector<16xf32>
          %add3A_303 = arith.constant 176 : i32
          %add3A_304 = arith.addi %multiple_of3A_192, %add3A_303 : i32
          %get3A_305 = arith.index_cast %scan3A_75 : i32 to index
          %get3A_306 = arith.index_cast %add3A_304 : i32 to index
          %get3A_307 = tpu.vector_load %arg5[%get3A_305, %get3A_306] {strides = array<i32>} : memref<8x4096xf32, #tpu.memory_space<vmem>>, vector<16xf32>,
          %mul3A_308 = arith.mulf %get3A_307, %div3A_115 : vector<16xf32>
          %sub3A_309 = arith.constant 1.000000e+00 : f32
          %sub3A_310 = vector.broadcast %sub3A_309 : f32 to vector<16xf32>
          %sub3A_311 = arith.subf %sub3A_310, %mul3A_308 : vector<16xf32>
          %mul3A_312 = arith.mulf %mul3A_232, %sub3A_311 : vector<16xf32>
          %add3A_313 = arith.constant 192 : i32
          %add3A_314 = arith.addi %multiple_of3A_192, %add3A_313 : i32
          %get3A_315 = arith.index_cast %scan3A_75 : i32 to index
          %get3A_316 = arith.index_cast %add3A_314 : i32 to index
          %get3A_317 = tpu.vector_load %arg5[%get3A_315, %get3A_316] {strides = array<i32>} : memref<8x4096xf32, #tpu.memory_space<vmem>>, vector<16xf32>,
          %mul3A_318 = arith.mulf %get3A_317, %div3A_115 : vector<16xf32>
          %sub3A_319 = arith.constant 1.000000e+00 : f32
          %sub3A_320 = vector.broadcast %sub3A_319 : f32 to vector<16xf32>
          %sub3A_321 = arith.subf %sub3A_320, %mul3A_318 : vector<16xf32>
          %mul3A_322 = arith.mulf %mul3A_242, %sub3A_321 : vector<16xf32>
          %add3A_323 = arith.constant 208 : i32
          %add3A_324 = arith.addi %multiple_of3A_192, %add3A_323 : i32
          %get3A_325 = arith.index_cast %scan3A_75 : i32 to index
          %get3A_326 = arith.index_cast %add3A_324 : i32 to index
          %get3A_327 = tpu.vector_load %arg5[%get3A_325, %get3A_326] {strides = array<i32>} : memref<8x4096xf32, #tpu.memory_space<vmem>>, vector<16xf32>,
          %mul3A_328 = arith.mulf %get3A_327, %div3A_115 : vector<16xf32>
          %sub3A_329 = arith.constant 1.000000e+00 : f32
          %sub3A_330 = vector.broadcast %sub3A_329 : f32 to vector<16xf32>
          %sub3A_331 = arith.subf %sub3A_330, %mul3A_328 : vector<16xf32>
          %mul3A_332 = arith.mulf %mul3A_252, %sub3A_331 : vector<16xf32>
          %add3A_333 = arith.constant 224 : i32
          %add3A_334 = arith.addi %multiple_of3A_192, %add3A_333 : i32
          %get3A_335 = arith.index_cast %scan3A_75 : i32 to index
          %get3A_336 = arith.index_cast %add3A_334 : i32 to index
          %get3A_337 = tpu.vector_load %arg5[%get3A_335, %get3A_336] {strides = array<i32>} : memref<8x4096xf32, #tpu.memory_space<vmem>>, vector<16xf32>,
          %mul3A_338 = arith.mulf %get3A_337, %div3A_115 : vector<16xf32>
          %sub3A_339 = arith.constant 1.000000e+00 : f32
          %sub3A_340 = vector.broadcast %sub3A_339 : f32 to vector<16xf32>
          %sub3A_341 = arith.subf %sub3A_340, %mul3A_338 : vector<16xf32>
          %mul3A_342 = arith.mulf %mul3A_262, %sub3A_341 : vector<16xf32>
          %add3A_343 = arith.constant 240 : i32
          %add3A_344 = arith.addi %multiple_of3A_192, %add3A_343 : i32
          %get3A_345 = arith.index_cast %scan3A_75 : i32 to index
          %get3A_346 = arith.index_cast %add3A_344 : i32 to index
          %get3A_347 = tpu.vector_load %arg5[%get3A_345, %get3A_346] {strides = array<i32>} : memref<8x4096xf32, #tpu.memory_space<vmem>>, vector<16xf32>,
          %mul3A_348 = arith.mulf %get3A_347, %div3A_115 : vector<16xf32>
          %sub3A_349 = arith.constant 1.000000e+00 : f32
          %sub3A_350 = vector.broadcast %sub3A_349 : f32 to vector<16xf32>
          %sub3A_351 = arith.subf %sub3A_350, %mul3A_348 : vector<16xf32>
          %mul3A_352 = arith.mulf %mul3A_272, %sub3A_351 : vector<16xf32>
          scf.yield %mul3A_282, %mul3A_292, %mul3A_302, %mul3A_312, %mul3A_322, %mul3A_332, %mul3A_342, %mul3A_352 : vector<16xf32>, vector<16xf32>, vector<16xf32>, vector<16xf32>, vector<16xf32>, vector<16xf32>, vector<16xf32>, vector<16xf32>
        }
        %scan3A_137 = arith.constant 16 : i32
        %mul3A_138 = arith.mulf %scan3A_136#0, %scan3A_136#1 : vector<16xf32>
        %mul3A_139 = arith.mulf %scan3A_136#2, %scan3A_136#3 : vector<16xf32>
        %mul3A_140 = arith.mulf %mul3A_138, %mul3A_139 : vector<16xf32>
        %mul3A_141 = arith.mulf %scan3A_136#4, %scan3A_136#5 : vector<16xf32>
        %mul3A_142 = arith.mulf %scan3A_136#6, %scan3A_136#7 : vector<16xf32>
        %mul3A_143 = arith.mulf %mul3A_141, %mul3A_142 : vector<16xf32>
        %mul3A_144 = arith.mulf %mul3A_140, %mul3A_143 : vector<16xf32>
        %get3A_145 = arith.index_cast %scan3A_75 : i32 to index
        %get3A_146 = arith.constant 0 : index
        %get3A_147 = tpu.vector_load %arg5[%get3A_145, %get3A_146] {strides = array<i32>} : memref<8x4096xf32, #tpu.memory_space<vmem>>, vector<16xf32>,
        %mul3A_148 = arith.mulf %get3A_147, %div3A_115 : vector<16xf32>
        %eq3A_149 = arith.constant 0 : i32
        %eq3A_150 = vector.broadcast %eq3A_149 : i32 to vector<16xi32>
        %eq3A_151 = arith.cmpi eq, %iota3A, %eq3A_150 : vector<16xi32>
        %sub3A_152 = arith.constant 1.000000e+00 : f32
        %sub3A_153 = vector.broadcast %sub3A_152 : f32 to vector<16xf32>
        %sub3A_154 = arith.subf %sub3A_153, %mul3A_148 : vector<16xf32>
        %div3A_155 = arith.divf %mul3A_148, %sub3A_154 : vector<16xf32>
        %jit3A_156 = arith.constant 1.000000e+00 : f32
        %broadcast_in_dim3A_157 = vector.broadcast %jit3A_156 : f32 to vector<16xf32>
        %select_n3A_158 = arith.select %eq3A_151, %div3A_155, %broadcast_in_dim3A_157 : vector<16xi1>, vector<16xf32>
        %mul3A_159 = arith.mulf %get3A_106, %div3A_115 : vector<16xf32>
        %eq3A_160 = arith.constant 15 : i32
        %eq3A_161 = vector.broadcast %eq3A_160 : i32 to vector<16xi32>
        %eq3A_162 = arith.cmpi eq, %iota3A, %eq3A_161 : vector<16xi32>
        %sub3A_163 = arith.constant 1.000000e+00 : f32
        %sub3A_164 = vector.broadcast %sub3A_163 : f32 to vector<16xf32>
        %sub3A_165 = arith.subf %sub3A_164, %mul3A_159 : vector<16xf32>
        %div3A_166 = arith.constant 1.000000e+00 : f32
        %div3A_167 = vector.broadcast %div3A_166 : f32 to vector<16xf32>
        %div3A_168 = arith.divf %div3A_167, %sub3A_165 : vector<16xf32>
        %jit3A_169 = arith.constant 1.000000e+00 : f32
        %broadcast_in_dim3A_170 = vector.broadcast %jit3A_169 : f32 to vector<16xf32>
        %select_n3A_171 = arith.select %eq3A_162, %div3A_168, %broadcast_in_dim3A_170 : vector<16xi1>, vector<16xf32>
        %mul3A_172 = arith.constant 8 : i32
        %mul3A_173 = arith.muli %add3A_52, %mul3A_172 : i32
        %add3A_174 = arith.addi %mul3A_173, %scan3A_75 : i32
        %mul3A_175 = arith.constant 16 : i32
        %mul3A_176 = arith.muli %add3A_174, %mul3A_175 : i32
        %multiple_of3A = tpu.assume_multiple %mul3A_176, 16 : i32
        %mul3A_177 = arith.mulf %mul3A_144, %select_n3A_158 : vector<16xf32>
        %mul3A_178 = arith.mulf %mul3A_177, %select_n3A_171 : vector<16xf32>
        %swap3A = arith.index_cast %multiple_of3A : i32 to index
        %swap3A_179 = tpu.vector_load %arg6[%swap3A] {strides = array<i32>} : memref<512xf32, #tpu.memory_space<vmem>>, vector<16xf32>,
        tpu.vector_store %arg6[%swap3A], %mul3A_178 {strides = array<i32>} : memref<512xf32, #tpu.memory_space<vmem>>, vector<16xf32>,
        %scan3A_180 = arith.constant 0 : i32
        scf.yield %scan3A_180 : i32
      }
      %scan3A_66 = arith.constant 8 : i32
      %add3A_67 = arith.constant 2 : i32
      %add3A_68 = arith.addi %add3A_52, %add3A_67 : i32
      %lt3A_69 = arith.constant 4 : i32
      %lt3A_70 = arith.cmpi slt, %add3A_68, %lt3A_69 : i32
      %convert_element_type3A_71 = arith.extui %lt3A_70 : i1 to i32
      %cond3A_72 = arith.constant 0 : i32
      %cond3A_73 = arith.cmpi ne, %convert_element_type3A_71, %cond3A_72 : i32
      scf.if %cond3A_73 {
        %add3A_75 = arith.constant 2 : i32
        %add3A_76 = arith.addi %add3A_52, %add3A_75 : i32
        %mul3A_77 = arith.constant 8 : i32
        %mul3A_78 = arith.muli %add3A_76, %mul3A_77 : i32
        %add3A_79 = arith.addi %add3A_4, %mul3A_78 : i32
        %dma_start3A_80 = arith.constant 0 : i32
        %dma_start3A_81 = tpu.memref_slice %arg2[%add3A_79, %dma_start3A_80] : memref<4096x4096xf32, #tpu.memory_space<hbm>> -> memref<8x4096xf32, #tpu.memory_space<hbm>>
        %dma_start3A_82 = arith.constant 0 : i32
        %dma_start3A_83 = tpu.memref_slice %arg2[%add3A_79, %dma_start3A_82] : memref<4096x4096xf32, #tpu.memory_space<hbm>> -> memref<8x4096xf32, #tpu.memory_space<hbm>>
        tpu.enqueue_dma source(%dma_start3A_83 : memref<8x4096xf32, #tpu.memory_space<hbm>>) target(%arg5 : memref<8x4096xf32, #tpu.memory_space<vmem>>) target_semaphore(%arg8 : memref<!tpu.dma_semaphore, #tpu.memory_space<semaphore_mem>>)
      } else {
      }
      %scan3A_74 = arith.constant 0 : i32
      scf.yield %scan3A_74 : i32
    }
    %scan3A_21 = arith.constant 2 : i32
    %mul3A_22 = arith.constant 32 : i32
    %mul3A_23 = arith.muli %add3A, %mul3A_22 : i32
    %mul3A_24 = arith.constant 16 : i32
    %mul3A_25 = arith.muli %mul3A_23, %mul3A_24 : i32
    "tpu.region"() ({
      %run_scoped3A = tpu.sem_alloc : memref<!tpu.dma_semaphore, #tpu.memory_space<semaphore_mem>>
      %dma_start3A_26 = tpu.memref_slice %arg3[%mul3A_25] : memref<16384xf32, #tpu.memory_space<hbm>> -> memref<512xf32, #tpu.memory_space<hbm>>
      %dma_start3A_27 = tpu.memref_slice %arg3[%mul3A_25] : memref<16384xf32, #tpu.memory_space<hbm>> -> memref<512xf32, #tpu.memory_space<hbm>>
      tpu.enqueue_dma source(%arg6 : memref<512xf32, #tpu.memory_space<vmem>>) target(%dma_start3A_27 : memref<512xf32, #tpu.memory_space<hbm>>) target_semaphore(%run_scoped3A : memref<!tpu.dma_semaphore, #tpu.memory_space<semaphore_mem>>)
      %dma_wait3A = tpu.memref_slice %arg3[%mul3A_25] : memref<16384xf32, #tpu.memory_space<hbm>> -> memref<512xf32, #tpu.memory_space<hbm>>
      %dma_wait3A_28 = tpu.memref_slice %arg3[%mul3A_25] : memref<16384xf32, #tpu.memory_space<hbm>> -> memref<512xf32, #tpu.memory_space<hbm>>
      tpu.wait_dma2 semaphore(%run_scoped3A : memref<!tpu.dma_semaphore, #tpu.memory_space<semaphore_mem>>) src(%arg6 : memref<512xf32, #tpu.memory_space<vmem>>) dst(%dma_wait3A_28 : memref<512xf32, #tpu.memory_space<hbm>>)
      tpu.yield
    }) : () -> ()
    return
  }
}

module attributes {stable_mosaic.version = 14 : i64} {
  func.func @_tc_body(%arg0: i32, %arg1: memref<256x4096xf32, #tpu.memory_space<vmem>>, %arg2: memref<1x1xf32, #tpu.memory_space<vmem>>) attributes {dimension_semantics = [#tpu.dimension_semantics<arbitrary>], iteration_bounds = array<i64: 12>, scalar_prefetch = 0 : i64, scratch_operands = 0 : i64, tpu.core_type = #tpu.core_type<tc>, window_params = [{transform_indices = @transform_0, window_bounds = array<i64: 256, 4096>}, {pipeline_mode = #tpu.pipeline_mode<synchronous>, transform_indices = @transform_1, window_bounds = array<i64: 1, 1>}]} {
    %get3A = arith.constant 0 : index
    %get3A_0 = arith.constant 0 : index
    %get3A_1 = vector.load %arg1[%get3A, %get3A_0] : memref<256x4096xf32, #tpu.memory_space<vmem>>, vector<256x4096xf32>
    %reduce_sum3A = arith.constant dense<0.000000e+00> : vector<256xf32>
    %reduce_sum3A_2 = vector.multi_reduction <add>, %get3A_1, %reduce_sum3A [1] : vector<256x4096xf32> to vector<256xf32>
    %slice3A = vector.extract_strided_slice %get3A_1 {offsets = [0, 0], sizes = [256, 1], strides = [1, 1]} : vector<256x4096xf32> to vector<256x1xf32>
    %squeeze3A = vector.shape_cast %slice3A : vector<256x1xf32> to vector<256xf32>
    %slice3A_3 = vector.extract_strided_slice %get3A_1 {offsets = [0, 4095], sizes = [256, 1], strides = [1, 1]} : vector<256x4096xf32> to vector<256x1xf32>
    %squeeze3A_4 = vector.shape_cast %slice3A_3 : vector<256x1xf32> to vector<256xf32>
    %sub3A = arith.subf %reduce_sum3A_2, %squeeze3A_4 : vector<256xf32>
    %div3A = arith.constant 1.000000e+00 : f32
    %div3A_5 = vector.broadcast %div3A : f32 to vector<256xf32>
    %div3A_6 = arith.divf %div3A_5, %sub3A : vector<256xf32>
    %broadcast_in_dim3A = vector.shape_cast %div3A_6 : vector<256xf32> to vector<256x1xf32>
    %slice3A_7 = vector.extract_strided_slice %get3A_1 {offsets = [0, 0], sizes = [256, 128], strides = [1, 1]} : vector<256x4096xf32> to vector<256x128xf32>
    %mul3A = vector.broadcast %broadcast_in_dim3A : vector<256x1xf32> to vector<256x128xf32>
    %mul3A_8 = arith.mulf %slice3A_7, %mul3A : vector<256x128xf32>
    %sub3A_9 = arith.constant 1.000000e+00 : f32
    %sub3A_10 = vector.broadcast %sub3A_9 : f32 to vector<256x128xf32>
    %sub3A_11 = arith.subf %sub3A_10, %mul3A_8 : vector<256x128xf32>
    %slice3A_12 = vector.extract_strided_slice %get3A_1 {offsets = [0, 128], sizes = [256, 128], strides = [1, 1]} : vector<256x4096xf32> to vector<256x128xf32>
    %mul3A_13 = vector.broadcast %broadcast_in_dim3A : vector<256x1xf32> to vector<256x128xf32>
    %mul3A_14 = arith.mulf %slice3A_12, %mul3A_13 : vector<256x128xf32>
    %sub3A_15 = arith.constant 1.000000e+00 : f32
    %sub3A_16 = vector.broadcast %sub3A_15 : f32 to vector<256x128xf32>
    %sub3A_17 = arith.subf %sub3A_16, %mul3A_14 : vector<256x128xf32>
    %mul3A_18 = arith.mulf %sub3A_11, %sub3A_17 : vector<256x128xf32>
    %slice3A_19 = vector.extract_strided_slice %get3A_1 {offsets = [0, 256], sizes = [256, 128], strides = [1, 1]} : vector<256x4096xf32> to vector<256x128xf32>
    %mul3A_20 = vector.broadcast %broadcast_in_dim3A : vector<256x1xf32> to vector<256x128xf32>
    %mul3A_21 = arith.mulf %slice3A_19, %mul3A_20 : vector<256x128xf32>
    %sub3A_22 = arith.constant 1.000000e+00 : f32
    %sub3A_23 = vector.broadcast %sub3A_22 : f32 to vector<256x128xf32>
    %sub3A_24 = arith.subf %sub3A_23, %mul3A_21 : vector<256x128xf32>
    %mul3A_25 = arith.mulf %mul3A_18, %sub3A_24 : vector<256x128xf32>
    %slice3A_26 = vector.extract_strided_slice %get3A_1 {offsets = [0, 384], sizes = [256, 128], strides = [1, 1]} : vector<256x4096xf32> to vector<256x128xf32>
    %mul3A_27 = vector.broadcast %broadcast_in_dim3A : vector<256x1xf32> to vector<256x128xf32>
    %mul3A_28 = arith.mulf %slice3A_26, %mul3A_27 : vector<256x128xf32>
    %sub3A_29 = arith.constant 1.000000e+00 : f32
    %sub3A_30 = vector.broadcast %sub3A_29 : f32 to vector<256x128xf32>
    %sub3A_31 = arith.subf %sub3A_30, %mul3A_28 : vector<256x128xf32>
    %mul3A_32 = arith.mulf %mul3A_25, %sub3A_31 : vector<256x128xf32>
    %slice3A_33 = vector.extract_strided_slice %get3A_1 {offsets = [0, 512], sizes = [256, 128], strides = [1, 1]} : vector<256x4096xf32> to vector<256x128xf32>
    %mul3A_34 = vector.broadcast %broadcast_in_dim3A : vector<256x1xf32> to vector<256x128xf32>
    %mul3A_35 = arith.mulf %slice3A_33, %mul3A_34 : vector<256x128xf32>
    %sub3A_36 = arith.constant 1.000000e+00 : f32
    %sub3A_37 = vector.broadcast %sub3A_36 : f32 to vector<256x128xf32>
    %sub3A_38 = arith.subf %sub3A_37, %mul3A_35 : vector<256x128xf32>
    %mul3A_39 = arith.mulf %mul3A_32, %sub3A_38 : vector<256x128xf32>
    %slice3A_40 = vector.extract_strided_slice %get3A_1 {offsets = [0, 640], sizes = [256, 128], strides = [1, 1]} : vector<256x4096xf32> to vector<256x128xf32>
    %mul3A_41 = vector.broadcast %broadcast_in_dim3A : vector<256x1xf32> to vector<256x128xf32>
    %mul3A_42 = arith.mulf %slice3A_40, %mul3A_41 : vector<256x128xf32>
    %sub3A_43 = arith.constant 1.000000e+00 : f32
    %sub3A_44 = vector.broadcast %sub3A_43 : f32 to vector<256x128xf32>
    %sub3A_45 = arith.subf %sub3A_44, %mul3A_42 : vector<256x128xf32>
    %mul3A_46 = arith.mulf %mul3A_39, %sub3A_45 : vector<256x128xf32>
    %slice3A_47 = vector.extract_strided_slice %get3A_1 {offsets = [0, 768], sizes = [256, 128], strides = [1, 1]} : vector<256x4096xf32> to vector<256x128xf32>
    %mul3A_48 = vector.broadcast %broadcast_in_dim3A : vector<256x1xf32> to vector<256x128xf32>
    %mul3A_49 = arith.mulf %slice3A_47, %mul3A_48 : vector<256x128xf32>
    %sub3A_50 = arith.constant 1.000000e+00 : f32
    %sub3A_51 = vector.broadcast %sub3A_50 : f32 to vector<256x128xf32>
    %sub3A_52 = arith.subf %sub3A_51, %mul3A_49 : vector<256x128xf32>
    %mul3A_53 = arith.mulf %mul3A_46, %sub3A_52 : vector<256x128xf32>
    %slice3A_54 = vector.extract_strided_slice %get3A_1 {offsets = [0, 896], sizes = [256, 128], strides = [1, 1]} : vector<256x4096xf32> to vector<256x128xf32>
    %mul3A_55 = vector.broadcast %broadcast_in_dim3A : vector<256x1xf32> to vector<256x128xf32>
    %mul3A_56 = arith.mulf %slice3A_54, %mul3A_55 : vector<256x128xf32>
    %sub3A_57 = arith.constant 1.000000e+00 : f32
    %sub3A_58 = vector.broadcast %sub3A_57 : f32 to vector<256x128xf32>
    %sub3A_59 = arith.subf %sub3A_58, %mul3A_56 : vector<256x128xf32>
    %mul3A_60 = arith.mulf %mul3A_53, %sub3A_59 : vector<256x128xf32>
    %slice3A_61 = vector.extract_strided_slice %get3A_1 {offsets = [0, 1024], sizes = [256, 128], strides = [1, 1]} : vector<256x4096xf32> to vector<256x128xf32>
    %mul3A_62 = vector.broadcast %broadcast_in_dim3A : vector<256x1xf32> to vector<256x128xf32>
    %mul3A_63 = arith.mulf %slice3A_61, %mul3A_62 : vector<256x128xf32>
    %sub3A_64 = arith.constant 1.000000e+00 : f32
    %sub3A_65 = vector.broadcast %sub3A_64 : f32 to vector<256x128xf32>
    %sub3A_66 = arith.subf %sub3A_65, %mul3A_63 : vector<256x128xf32>
    %mul3A_67 = arith.mulf %mul3A_60, %sub3A_66 : vector<256x128xf32>
    %slice3A_68 = vector.extract_strided_slice %get3A_1 {offsets = [0, 1152], sizes = [256, 128], strides = [1, 1]} : vector<256x4096xf32> to vector<256x128xf32>
    %mul3A_69 = vector.broadcast %broadcast_in_dim3A : vector<256x1xf32> to vector<256x128xf32>
    %mul3A_70 = arith.mulf %slice3A_68, %mul3A_69 : vector<256x128xf32>
    %sub3A_71 = arith.constant 1.000000e+00 : f32
    %sub3A_72 = vector.broadcast %sub3A_71 : f32 to vector<256x128xf32>
    %sub3A_73 = arith.subf %sub3A_72, %mul3A_70 : vector<256x128xf32>
    %mul3A_74 = arith.mulf %mul3A_67, %sub3A_73 : vector<256x128xf32>
    %slice3A_75 = vector.extract_strided_slice %get3A_1 {offsets = [0, 1280], sizes = [256, 128], strides = [1, 1]} : vector<256x4096xf32> to vector<256x128xf32>
    %mul3A_76 = vector.broadcast %broadcast_in_dim3A : vector<256x1xf32> to vector<256x128xf32>
    %mul3A_77 = arith.mulf %slice3A_75, %mul3A_76 : vector<256x128xf32>
    %sub3A_78 = arith.constant 1.000000e+00 : f32
    %sub3A_79 = vector.broadcast %sub3A_78 : f32 to vector<256x128xf32>
    %sub3A_80 = arith.subf %sub3A_79, %mul3A_77 : vector<256x128xf32>
    %mul3A_81 = arith.mulf %mul3A_74, %sub3A_80 : vector<256x128xf32>
    %slice3A_82 = vector.extract_strided_slice %get3A_1 {offsets = [0, 1408], sizes = [256, 128], strides = [1, 1]} : vector<256x4096xf32> to vector<256x128xf32>
    %mul3A_83 = vector.broadcast %broadcast_in_dim3A : vector<256x1xf32> to vector<256x128xf32>
    %mul3A_84 = arith.mulf %slice3A_82, %mul3A_83 : vector<256x128xf32>
    %sub3A_85 = arith.constant 1.000000e+00 : f32
    %sub3A_86 = vector.broadcast %sub3A_85 : f32 to vector<256x128xf32>
    %sub3A_87 = arith.subf %sub3A_86, %mul3A_84 : vector<256x128xf32>
    %mul3A_88 = arith.mulf %mul3A_81, %sub3A_87 : vector<256x128xf32>
    %slice3A_89 = vector.extract_strided_slice %get3A_1 {offsets = [0, 1536], sizes = [256, 128], strides = [1, 1]} : vector<256x4096xf32> to vector<256x128xf32>
    %mul3A_90 = vector.broadcast %broadcast_in_dim3A : vector<256x1xf32> to vector<256x128xf32>
    %mul3A_91 = arith.mulf %slice3A_89, %mul3A_90 : vector<256x128xf32>
    %sub3A_92 = arith.constant 1.000000e+00 : f32
    %sub3A_93 = vector.broadcast %sub3A_92 : f32 to vector<256x128xf32>
    %sub3A_94 = arith.subf %sub3A_93, %mul3A_91 : vector<256x128xf32>
    %mul3A_95 = arith.mulf %mul3A_88, %sub3A_94 : vector<256x128xf32>
    %slice3A_96 = vector.extract_strided_slice %get3A_1 {offsets = [0, 1664], sizes = [256, 128], strides = [1, 1]} : vector<256x4096xf32> to vector<256x128xf32>
    %mul3A_97 = vector.broadcast %broadcast_in_dim3A : vector<256x1xf32> to vector<256x128xf32>
    %mul3A_98 = arith.mulf %slice3A_96, %mul3A_97 : vector<256x128xf32>
    %sub3A_99 = arith.constant 1.000000e+00 : f32
    %sub3A_100 = vector.broadcast %sub3A_99 : f32 to vector<256x128xf32>
    %sub3A_101 = arith.subf %sub3A_100, %mul3A_98 : vector<256x128xf32>
    %mul3A_102 = arith.mulf %mul3A_95, %sub3A_101 : vector<256x128xf32>
    %slice3A_103 = vector.extract_strided_slice %get3A_1 {offsets = [0, 1792], sizes = [256, 128], strides = [1, 1]} : vector<256x4096xf32> to vector<256x128xf32>
    %mul3A_104 = vector.broadcast %broadcast_in_dim3A : vector<256x1xf32> to vector<256x128xf32>
    %mul3A_105 = arith.mulf %slice3A_103, %mul3A_104 : vector<256x128xf32>
    %sub3A_106 = arith.constant 1.000000e+00 : f32
    %sub3A_107 = vector.broadcast %sub3A_106 : f32 to vector<256x128xf32>
    %sub3A_108 = arith.subf %sub3A_107, %mul3A_105 : vector<256x128xf32>
    %mul3A_109 = arith.mulf %mul3A_102, %sub3A_108 : vector<256x128xf32>
    %slice3A_110 = vector.extract_strided_slice %get3A_1 {offsets = [0, 1920], sizes = [256, 128], strides = [1, 1]} : vector<256x4096xf32> to vector<256x128xf32>
    %mul3A_111 = vector.broadcast %broadcast_in_dim3A : vector<256x1xf32> to vector<256x128xf32>
    %mul3A_112 = arith.mulf %slice3A_110, %mul3A_111 : vector<256x128xf32>
    %sub3A_113 = arith.constant 1.000000e+00 : f32
    %sub3A_114 = vector.broadcast %sub3A_113 : f32 to vector<256x128xf32>
    %sub3A_115 = arith.subf %sub3A_114, %mul3A_112 : vector<256x128xf32>
    %mul3A_116 = arith.mulf %mul3A_109, %sub3A_115 : vector<256x128xf32>
    %slice3A_117 = vector.extract_strided_slice %get3A_1 {offsets = [0, 2048], sizes = [256, 128], strides = [1, 1]} : vector<256x4096xf32> to vector<256x128xf32>
    %mul3A_118 = vector.broadcast %broadcast_in_dim3A : vector<256x1xf32> to vector<256x128xf32>
    %mul3A_119 = arith.mulf %slice3A_117, %mul3A_118 : vector<256x128xf32>
    %sub3A_120 = arith.constant 1.000000e+00 : f32
    %sub3A_121 = vector.broadcast %sub3A_120 : f32 to vector<256x128xf32>
    %sub3A_122 = arith.subf %sub3A_121, %mul3A_119 : vector<256x128xf32>
    %mul3A_123 = arith.mulf %mul3A_116, %sub3A_122 : vector<256x128xf32>
    %slice3A_124 = vector.extract_strided_slice %get3A_1 {offsets = [0, 2176], sizes = [256, 128], strides = [1, 1]} : vector<256x4096xf32> to vector<256x128xf32>
    %mul3A_125 = vector.broadcast %broadcast_in_dim3A : vector<256x1xf32> to vector<256x128xf32>
    %mul3A_126 = arith.mulf %slice3A_124, %mul3A_125 : vector<256x128xf32>
    %sub3A_127 = arith.constant 1.000000e+00 : f32
    %sub3A_128 = vector.broadcast %sub3A_127 : f32 to vector<256x128xf32>
    %sub3A_129 = arith.subf %sub3A_128, %mul3A_126 : vector<256x128xf32>
    %mul3A_130 = arith.mulf %mul3A_123, %sub3A_129 : vector<256x128xf32>
    %slice3A_131 = vector.extract_strided_slice %get3A_1 {offsets = [0, 2304], sizes = [256, 128], strides = [1, 1]} : vector<256x4096xf32> to vector<256x128xf32>
    %mul3A_132 = vector.broadcast %broadcast_in_dim3A : vector<256x1xf32> to vector<256x128xf32>
    %mul3A_133 = arith.mulf %slice3A_131, %mul3A_132 : vector<256x128xf32>
    %sub3A_134 = arith.constant 1.000000e+00 : f32
    %sub3A_135 = vector.broadcast %sub3A_134 : f32 to vector<256x128xf32>
    %sub3A_136 = arith.subf %sub3A_135, %mul3A_133 : vector<256x128xf32>
    %mul3A_137 = arith.mulf %mul3A_130, %sub3A_136 : vector<256x128xf32>
    %slice3A_138 = vector.extract_strided_slice %get3A_1 {offsets = [0, 2432], sizes = [256, 128], strides = [1, 1]} : vector<256x4096xf32> to vector<256x128xf32>
    %mul3A_139 = vector.broadcast %broadcast_in_dim3A : vector<256x1xf32> to vector<256x128xf32>
    %mul3A_140 = arith.mulf %slice3A_138, %mul3A_139 : vector<256x128xf32>
    %sub3A_141 = arith.constant 1.000000e+00 : f32
    %sub3A_142 = vector.broadcast %sub3A_141 : f32 to vector<256x128xf32>
    %sub3A_143 = arith.subf %sub3A_142, %mul3A_140 : vector<256x128xf32>
    %mul3A_144 = arith.mulf %mul3A_137, %sub3A_143 : vector<256x128xf32>
    %slice3A_145 = vector.extract_strided_slice %get3A_1 {offsets = [0, 2560], sizes = [256, 128], strides = [1, 1]} : vector<256x4096xf32> to vector<256x128xf32>
    %mul3A_146 = vector.broadcast %broadcast_in_dim3A : vector<256x1xf32> to vector<256x128xf32>
    %mul3A_147 = arith.mulf %slice3A_145, %mul3A_146 : vector<256x128xf32>
    %sub3A_148 = arith.constant 1.000000e+00 : f32
    %sub3A_149 = vector.broadcast %sub3A_148 : f32 to vector<256x128xf32>
    %sub3A_150 = arith.subf %sub3A_149, %mul3A_147 : vector<256x128xf32>
    %mul3A_151 = arith.mulf %mul3A_144, %sub3A_150 : vector<256x128xf32>
    %slice3A_152 = vector.extract_strided_slice %get3A_1 {offsets = [0, 2688], sizes = [256, 128], strides = [1, 1]} : vector<256x4096xf32> to vector<256x128xf32>
    %mul3A_153 = vector.broadcast %broadcast_in_dim3A : vector<256x1xf32> to vector<256x128xf32>
    %mul3A_154 = arith.mulf %slice3A_152, %mul3A_153 : vector<256x128xf32>
    %sub3A_155 = arith.constant 1.000000e+00 : f32
    %sub3A_156 = vector.broadcast %sub3A_155 : f32 to vector<256x128xf32>
    %sub3A_157 = arith.subf %sub3A_156, %mul3A_154 : vector<256x128xf32>
    %mul3A_158 = arith.mulf %mul3A_151, %sub3A_157 : vector<256x128xf32>
    %slice3A_159 = vector.extract_strided_slice %get3A_1 {offsets = [0, 2816], sizes = [256, 128], strides = [1, 1]} : vector<256x4096xf32> to vector<256x128xf32>
    %mul3A_160 = vector.broadcast %broadcast_in_dim3A : vector<256x1xf32> to vector<256x128xf32>
    %mul3A_161 = arith.mulf %slice3A_159, %mul3A_160 : vector<256x128xf32>
    %sub3A_162 = arith.constant 1.000000e+00 : f32
    %sub3A_163 = vector.broadcast %sub3A_162 : f32 to vector<256x128xf32>
    %sub3A_164 = arith.subf %sub3A_163, %mul3A_161 : vector<256x128xf32>
    %mul3A_165 = arith.mulf %mul3A_158, %sub3A_164 : vector<256x128xf32>
    %slice3A_166 = vector.extract_strided_slice %get3A_1 {offsets = [0, 2944], sizes = [256, 128], strides = [1, 1]} : vector<256x4096xf32> to vector<256x128xf32>
    %mul3A_167 = vector.broadcast %broadcast_in_dim3A : vector<256x1xf32> to vector<256x128xf32>
    %mul3A_168 = arith.mulf %slice3A_166, %mul3A_167 : vector<256x128xf32>
    %sub3A_169 = arith.constant 1.000000e+00 : f32
    %sub3A_170 = vector.broadcast %sub3A_169 : f32 to vector<256x128xf32>
    %sub3A_171 = arith.subf %sub3A_170, %mul3A_168 : vector<256x128xf32>
    %mul3A_172 = arith.mulf %mul3A_165, %sub3A_171 : vector<256x128xf32>
    %slice3A_173 = vector.extract_strided_slice %get3A_1 {offsets = [0, 3072], sizes = [256, 128], strides = [1, 1]} : vector<256x4096xf32> to vector<256x128xf32>
    %mul3A_174 = vector.broadcast %broadcast_in_dim3A : vector<256x1xf32> to vector<256x128xf32>
    %mul3A_175 = arith.mulf %slice3A_173, %mul3A_174 : vector<256x128xf32>
    %sub3A_176 = arith.constant 1.000000e+00 : f32
    %sub3A_177 = vector.broadcast %sub3A_176 : f32 to vector<256x128xf32>
    %sub3A_178 = arith.subf %sub3A_177, %mul3A_175 : vector<256x128xf32>
    %mul3A_179 = arith.mulf %mul3A_172, %sub3A_178 : vector<256x128xf32>
    %slice3A_180 = vector.extract_strided_slice %get3A_1 {offsets = [0, 3200], sizes = [256, 128], strides = [1, 1]} : vector<256x4096xf32> to vector<256x128xf32>
    %mul3A_181 = vector.broadcast %broadcast_in_dim3A : vector<256x1xf32> to vector<256x128xf32>
    %mul3A_182 = arith.mulf %slice3A_180, %mul3A_181 : vector<256x128xf32>
    %sub3A_183 = arith.constant 1.000000e+00 : f32
    %sub3A_184 = vector.broadcast %sub3A_183 : f32 to vector<256x128xf32>
    %sub3A_185 = arith.subf %sub3A_184, %mul3A_182 : vector<256x128xf32>
    %mul3A_186 = arith.mulf %mul3A_179, %sub3A_185 : vector<256x128xf32>
    %slice3A_187 = vector.extract_strided_slice %get3A_1 {offsets = [0, 3328], sizes = [256, 128], strides = [1, 1]} : vector<256x4096xf32> to vector<256x128xf32>
    %mul3A_188 = vector.broadcast %broadcast_in_dim3A : vector<256x1xf32> to vector<256x128xf32>
    %mul3A_189 = arith.mulf %slice3A_187, %mul3A_188 : vector<256x128xf32>
    %sub3A_190 = arith.constant 1.000000e+00 : f32
    %sub3A_191 = vector.broadcast %sub3A_190 : f32 to vector<256x128xf32>
    %sub3A_192 = arith.subf %sub3A_191, %mul3A_189 : vector<256x128xf32>
    %mul3A_193 = arith.mulf %mul3A_186, %sub3A_192 : vector<256x128xf32>
    %slice3A_194 = vector.extract_strided_slice %get3A_1 {offsets = [0, 3456], sizes = [256, 128], strides = [1, 1]} : vector<256x4096xf32> to vector<256x128xf32>
    %mul3A_195 = vector.broadcast %broadcast_in_dim3A : vector<256x1xf32> to vector<256x128xf32>
    %mul3A_196 = arith.mulf %slice3A_194, %mul3A_195 : vector<256x128xf32>
    %sub3A_197 = arith.constant 1.000000e+00 : f32
    %sub3A_198 = vector.broadcast %sub3A_197 : f32 to vector<256x128xf32>
    %sub3A_199 = arith.subf %sub3A_198, %mul3A_196 : vector<256x128xf32>
    %mul3A_200 = arith.mulf %mul3A_193, %sub3A_199 : vector<256x128xf32>
    %slice3A_201 = vector.extract_strided_slice %get3A_1 {offsets = [0, 3584], sizes = [256, 128], strides = [1, 1]} : vector<256x4096xf32> to vector<256x128xf32>
    %mul3A_202 = vector.broadcast %broadcast_in_dim3A : vector<256x1xf32> to vector<256x128xf32>
    %mul3A_203 = arith.mulf %slice3A_201, %mul3A_202 : vector<256x128xf32>
    %sub3A_204 = arith.constant 1.000000e+00 : f32
    %sub3A_205 = vector.broadcast %sub3A_204 : f32 to vector<256x128xf32>
    %sub3A_206 = arith.subf %sub3A_205, %mul3A_203 : vector<256x128xf32>
    %mul3A_207 = arith.mulf %mul3A_200, %sub3A_206 : vector<256x128xf32>
    %slice3A_208 = vector.extract_strided_slice %get3A_1 {offsets = [0, 3712], sizes = [256, 128], strides = [1, 1]} : vector<256x4096xf32> to vector<256x128xf32>
    %mul3A_209 = vector.broadcast %broadcast_in_dim3A : vector<256x1xf32> to vector<256x128xf32>
    %mul3A_210 = arith.mulf %slice3A_208, %mul3A_209 : vector<256x128xf32>
    %sub3A_211 = arith.constant 1.000000e+00 : f32
    %sub3A_212 = vector.broadcast %sub3A_211 : f32 to vector<256x128xf32>
    %sub3A_213 = arith.subf %sub3A_212, %mul3A_210 : vector<256x128xf32>
    %mul3A_214 = arith.mulf %mul3A_207, %sub3A_213 : vector<256x128xf32>
    %slice3A_215 = vector.extract_strided_slice %get3A_1 {offsets = [0, 3840], sizes = [256, 128], strides = [1, 1]} : vector<256x4096xf32> to vector<256x128xf32>
    %mul3A_216 = vector.broadcast %broadcast_in_dim3A : vector<256x1xf32> to vector<256x128xf32>
    %mul3A_217 = arith.mulf %slice3A_215, %mul3A_216 : vector<256x128xf32>
    %sub3A_218 = arith.constant 1.000000e+00 : f32
    %sub3A_219 = vector.broadcast %sub3A_218 : f32 to vector<256x128xf32>
    %sub3A_220 = arith.subf %sub3A_219, %mul3A_217 : vector<256x128xf32>
    %mul3A_221 = arith.mulf %mul3A_214, %sub3A_220 : vector<256x128xf32>
    %slice3A_222 = vector.extract_strided_slice %get3A_1 {offsets = [0, 3968], sizes = [256, 128], strides = [1, 1]} : vector<256x4096xf32> to vector<256x128xf32>
    %mul3A_223 = vector.broadcast %broadcast_in_dim3A : vector<256x1xf32> to vector<256x128xf32>
    %mul3A_224 = arith.mulf %slice3A_222, %mul3A_223 : vector<256x128xf32>
    %sub3A_225 = arith.constant 1.000000e+00 : f32
    %sub3A_226 = vector.broadcast %sub3A_225 : f32 to vector<256x128xf32>
    %sub3A_227 = arith.subf %sub3A_226, %mul3A_224 : vector<256x128xf32>
    %mul3A_228 = arith.mulf %mul3A_221, %sub3A_227 : vector<256x128xf32>
    %mul3A_229 = arith.mulf %squeeze3A, %div3A_6 : vector<256xf32>
    %log3A = math.log %mul3A_229 : vector<256xf32>
    %mul3A_230 = arith.mulf %squeeze3A, %div3A_6 : vector<256xf32>
    %sub3A_231 = arith.constant 1.000000e+00 : f32
    %sub3A_232 = vector.broadcast %sub3A_231 : f32 to vector<256xf32>
    %sub3A_233 = arith.subf %sub3A_232, %mul3A_230 : vector<256xf32>
    %log3A_234 = math.log %sub3A_233 : vector<256xf32>
    %sub3A_235 = arith.subf %log3A, %log3A_234 : vector<256xf32>
    %mul3A_236 = arith.mulf %squeeze3A_4, %div3A_6 : vector<256xf32>
    %sub3A_237 = arith.constant 1.000000e+00 : f32
    %sub3A_238 = vector.broadcast %sub3A_237 : f32 to vector<256xf32>
    %sub3A_239 = arith.subf %sub3A_238, %mul3A_236 : vector<256xf32>
    %log3A_240 = math.log %sub3A_239 : vector<256xf32>
    %sub3A_241 = arith.subf %sub3A_235, %log3A_240 : vector<256xf32>
    %log3A_242 = math.log %mul3A_228 : vector<256x128xf32>
    %reduce_sum3A_243 = arith.constant dense<0.000000e+00> : vector<256xf32>
    %reduce_sum3A_244 = vector.multi_reduction <add>, %log3A_242, %reduce_sum3A_243 [1] : vector<256x128xf32> to vector<256xf32>
    %add3A = arith.addf %sub3A_241, %reduce_sum3A_244 : vector<256xf32>
    %reduce_sum3A_245 = vector.shape_cast %add3A : vector<256xf32> to vector<1x256xf32>
    %reduce_sum3A_246 = arith.constant dense<0.000000e+00> : vector<1xf32>
    %reduce_sum3A_247 = vector.multi_reduction <add>, %reduce_sum3A_245, %reduce_sum3A_246 [1] : vector<1x256xf32> to vector<1xf32>
    %reduce_sum3A_248 = vector.shape_cast %reduce_sum3A_247 : vector<1xf32> to vector<1x1xf32>
    %reduce_sum3A_249 = vector.extract %reduce_sum3A_248[0, 0] : f32 from vector<1x1xf32>
    %eq3A = arith.constant 0 : i32
    %eq3A_250 = arith.cmpi eq, %arg0, %eq3A : i32
    %convert_element_type3A = arith.extui %eq3A_250 : i1 to i32
    %cond3A = arith.constant 0 : i32
    %cond3A_251 = arith.cmpi ne, %convert_element_type3A, %cond3A : i32
    scf.if %cond3A_251 {
      %broadcast_in_dim3A_258 = arith.constant 0.000000e+00 : f32
      %broadcast_in_dim3A_259 = vector.broadcast %broadcast_in_dim3A_258 : f32 to vector<1x1xf32>
      %swap3A_260 = arith.constant 0 : index
      %swap3A_261 = arith.constant 0 : index
      %swap3A_262 = vector.load %arg2[%swap3A_260, %swap3A_261] : memref<1x1xf32, #tpu.memory_space<vmem>>, vector<1x1xf32>
      tpu.vector_store %arg2[%swap3A_260, %swap3A_261], %broadcast_in_dim3A_259 {strides = array<i32>} : memref<1x1xf32, #tpu.memory_space<vmem>>, vector<1x1xf32>,
    } else {
    }
    %get3A_252 = arith.constant 0 : index
    %get3A_253 = arith.constant 0 : index
    %get3A_254 = vector.load %arg2[%get3A_252, %get3A_253] : memref<1x1xf32, #tpu.memory_space<vmem>>, vector<1x1xf32>
    %reshape3A = vector.broadcast %reduce_sum3A_249 : f32 to vector<1x1xf32>
    %add3A_255 = arith.addf %get3A_254, %reshape3A : vector<1x1xf32>
    %swap3A = arith.constant 0 : index
    %swap3A_256 = arith.constant 0 : index
    %swap3A_257 = vector.load %arg2[%swap3A, %swap3A_256] : memref<1x1xf32, #tpu.memory_space<vmem>>, vector<1x1xf32>
    tpu.vector_store %arg2[%swap3A, %swap3A_256], %add3A_255 {strides = array<i32>} : memref<1x1xf32, #tpu.memory_space<vmem>>, vector<1x1xf32>,
    return
  }
  func.func @transform_0(%arg0: i32) -> (i32, i32) {
    %c0_i32 = arith.constant 0 : i32
    %c0_i32_0 = arith.constant 0 : i32
    return %arg0, %c0_i32 : i32, i32
  }
  func.func @transform_1(%arg0: i32) -> (i32, i32) {
    %c0_i32 = arith.constant 0 : i32
    %c0_i32_0 = arith.constant 0 : i32
    %c0_i32_1 = arith.constant 0 : i32
    return %c0_i32, %c0_i32_0 : i32, i32
  }
}

module attributes {stable_mosaic.version = 14 : i64} {
  func.func @_combine_body(%arg0: memref<1x1xf32, #tpu.memory_space<vmem>>, %arg1: memref<128x128xf32, #tpu.memory_space<vmem>>, %arg2: memref<1x1xf32, #tpu.memory_space<vmem>>) attributes {dimension_semantics = [], scalar_prefetch = 0 : i64, scratch_operands = 0 : i64, tpu.core_type = #tpu.core_type<tc>} {
    %get3A = arith.constant 0 : index
    %get3A_0 = arith.constant 0 : index
    %get3A_1 = vector.load %arg1[%get3A, %get3A_0] : memref<128x128xf32, #tpu.memory_space<vmem>>, vector<128x128xf32>
    %log3A = math.log %get3A_1 : vector<128x128xf32>
    %reduce_sum3A = vector.shape_cast %log3A : vector<128x128xf32> to vector<1x128x128xf32>
    %reduce_sum3A_2 = arith.constant dense<0.000000e+00> : vector<1xf32>
    %reduce_sum3A_3 = vector.multi_reduction <add>, %reduce_sum3A, %reduce_sum3A_2 [1, 2] : vector<1x128x128xf32> to vector<1xf32>
    %reduce_sum3A_4 = vector.shape_cast %reduce_sum3A_3 : vector<1xf32> to vector<1x1x1xf32>
    %reduce_sum3A_5 = vector.extract %reduce_sum3A_4[0, 0, 0] : f32 from vector<1x1x1xf32>
    %get3A_6 = arith.constant 0 : index
    %get3A_7 = arith.constant 0 : index
    %get3A_8 = vector.load %arg0[%get3A_6, %get3A_7] : memref<1x1xf32, #tpu.memory_space<vmem>>, vector<1x1xf32>
    %get3A_9 = vector.extract %get3A_8[0, 0] : f32 from vector<1x1xf32>
    %add3A = arith.addf %reduce_sum3A_5, %get3A_9 : f32
    %mul3A = arith.constant -2.44140625E-4 : f32
    %mul3A_10 = arith.mulf %add3A, %mul3A : f32
    %reshape3A = vector.broadcast %mul3A_10 : f32 to vector<1x1xf32>
    %swap3A = arith.constant 0 : index
    %swap3A_11 = arith.constant 0 : index
    %swap3A_12 = vector.load %arg2[%swap3A, %swap3A_11] : memref<1x1xf32, #tpu.memory_space<vmem>>, vector<1x1xf32>
    tpu.vector_store %arg2[%swap3A, %swap3A_11], %reshape3A {strides = array<i32>} : memref<1x1xf32, #tpu.memory_space<vmem>>, vector<1x1xf32>,
    return
  }
}

</mosaic_0001>

<sc_bundles>
// kernel: kernel.5.cloned.1.call-start
scs
__scs_entry_jumppad:
0x0: {  	(pc) =	sbr.rel $0x88, $3  }
0x1: {  	(tag) =	ssettag $0x0;
	lr =	simm.s32 $0x1  }
0x2: {  	[smem:$0x3FA0] =	sst lr;
	_ =	strace $0xD0000000  }
0x3: {  	_ = 	snop  }
0x4: {  	_ = 	snop  }
0x5: {  	_ = 	snop  }
0x6: {  	_ = 	snop  }
0x7: {  	_ = 	snop  }
__scs_overlays_trampoline_lowered:
0x8: {  	[smem:$0x3FAF] =	sst s0  }
0x9: {  	[smem:$0x3FB0] =	sst s1  }
0xa: {  	[smem:$0x3FB1] =	sst s2  }
0xb: {  	[smem:$0x3FB2] =	sst s3  }
0xc: {  	[smem:$0x3FB3] =	sst s4  }
0xd: {  	[smem:$0x3FB4] =	sst s5  }
0xe: {  	[smem:$0x3FB5] =	sst s6  }
0xf: {  	[smem:$0x3FB6] =	sst s7  }
0x10: {  	[smem:$0x3FB7] =	sst s8  }
0x11: {  	[smem:$0x3FB8] =	sst s9;
	s0 =	simm.s32 @!p0 $0x0  }
0x12: {  	s1 =	sld [smem:$0x3F9E];
	s0 =	simm.s32 @p0 $0x1  }
0x13: {  	[smem:$0x3FB9] =	sst s0;
	s0 =	simm.s32 @!p1 $0x0  }
0x14: {  	s2 =	sld [smem:$0x3F9D];
	s0 =	simm.s32 @p1 $0x1  }
0x15: {  	[smem:$0x3FBA] =	sst s0;
	s0 =	simm.s32 @!p2 $0x0  }
0x16: {  	s3 =	sld [smem:$0x3FDB];
	s0 =	simm.s32 @p2 $0x1  }
0x17: {  	s4 =	simm.s32 $0x1BF5;
	[smem:$0x3FBC] =	sst s0  }
0x18: {  	s0 =	sld [smem:$0x3F9F];
	_ =	swait.ge [sflag:s4], $0x0  }
0x19: {  	s7 =	sld [smem:$0x3FA0]  }
0x1a: {  	s8 =	sadd.s32 $0xFFFFE003, lr  }
0x1b: {  	s9 =	sadd.s32 $0xFFFFFEF7, lr;
	s5 =	simm.s32 $0xFFFFFFFF;
	p2 =	slt.u32 s8, $0xFFFFF086  }
0x1c: {  	p1 =	slt.u32 s9, $0xF7A;
	s5 =	simm.s32 @!p2 $0x0  }
0x1d: {  	s5 =	simm.s32 @p1 $0x1;
	p0 =	seq.s32 s7, s2  }
0x1e: {  	s7 =	smul.u32 @!p0 $0xF7A, s2;
	p2 =	seq.s32 @!p0 s5, $0x0  }
0x1f: {  	s9 =	smul.u32 $0xF7A, s1;
	s8 =	simm.s32 @!p0 $0x1BF5;
	p2 =	por !p2, p0  }
0x20: {  	[sflag:s8] =	ssyncset.s32 @!p0 $0xFFFFF086;
	s6 =	sadd.s32 @!p0 s3, s7;
	s7 =	simm.s32 @!p0 $0x108  }
0x21: {  	s3 =	sadd.s32 s3, s9;
	s6 =	sadd.s32 @!p0 $0x88, s6;
	s7 =	simm.s32 @p2 $0x1082  }
0x22: {  	[simem:s7], [sflag:s8] =	dma.local @!p0 [hbm:s6], $0xF7A  }
0x23: {  	s9 =	sor.u32 $0xD0000000, s2;
	s6 =	simm.s32 $0x108;
	_ =	swait.ge @!p0 [sflag:s8], $0x0  }
0x24: {  	s3 =	sadd.s32 $0x88, s3;
	s6 =	simm.s32 @!p1 $0x1082;
	[sflag:s4] =	ssyncset.s32 $0xFFFFF086  }
0x25: {  	[simem:s6], [sflag:s4] =	dma.local [hbm:s3], $0xF7A  }
0x26: {  	[smem:$0x3FA0] =	sst s1;
	(tag) =	ssettag s2;
	_ =	strace s9  }
0x27: {  	s1 =	sld [smem:$0x3FB0]  }
0x28: {  	s2 =	sld [smem:$0x3FB1]  }
0x29: {  	s4 =	sld [smem:$0x3FB3]  }
0x2a: {  	p0 =	seq.s32 s5, $0x0;
	s5 =	sld [smem:$0x3FB4]  }
0x2b: {  	s6 =	sld [smem:$0x3FB5]  }
0x2c: {  	s7 =	sld [smem:$0x3FB6]  }
0x2d: {  	s3 =	simm.s32 $0x108;
	s8 =	sld [smem:$0x3FB7]  }
0x2e: {  	s3 =	simm.s32 @!p0 $0x1082;
	s9 =	sld [smem:$0x3FB8]  }
0x2f: {  	lr =	sadd.s32 s0, s3;
	s0 =	sld [smem:$0x3FAF]  }
0x30: {  	s3 =	sld [smem:$0x3FB2]  }
0x31: {  	[smem:$0x3FBB] =	sst s10  }
0x32: {  	s10 =	sld [smem:$0x3FB9];
	_ =	sdelay $0x3  }
0x33: {  	p0 =	seq.s32 s10, $0x1;
	s10 =	sld [smem:$0x3FBB];
	_ =	sdelay $0x3  }
0x34: {  	[smem:$0x3FBB] =	sst s10  }
0x35: {  	s10 =	sld [smem:$0x3FBA];
	_ =	sdelay $0x3  }
0x36: {  	p1 =	seq.s32 s10, $0x1;
	s10 =	sld [smem:$0x3FBB];
	_ =	sdelay $0x3  }
0x37: {  	[smem:$0x3FBB] =	sst s10  }
0x38: {  	s10 =	sld [smem:$0x3FBC]  }
0x39: {  	_ = 	snop;
	(pc) =	sbr.ind lr, $3  }
0x3a: {  	_ = 	snop  }
0x3b: {  	_ = 	snop  }
0x3c: {  	p2 =	seq.s32 s10, $0x1;
	s10 =	sld [smem:$0x3FBB]  }
0x3d: {  	_ =	shalt  }
0x3e: {  	_ =	shalt  }
0x3f: {  	_ =	shalt  }
0x40: {  	_ =	shalt  }
0x41: {  	_ =	shalt  }
0x42: {  	_ =	shalt  }
0x43: {  	_ =	shalt  }
0x44: {  	_ =	shalt  }
0x45: {  	_ =	shalt  }
0x46: {  	_ =	shalt  }
0x47: {  	_ =	shalt  }
0x48: {  	_ =	shalt  }
0x49: {  	_ =	shalt  }
0x4a: {  	_ =	shalt  }
0x4b: {  	_ =	shalt  }
0x4c: {  	_ =	shalt  }
0x4d: {  	_ =	shalt  }
0x4e: {  	_ =	shalt  }
0x4f: {  	_ =	shalt  }
0x50: {  	_ =	shalt  }
0x51: {  	_ =	shalt  }
0x52: {  	_ =	shalt  }
0x53: {  	_ =	shalt  }
0x54: {  	_ =	shalt  }
0x55: {  	_ =	shalt  }
0x56: {  	_ =	shalt  }
0x57: {  	_ =	shalt  }
0x58: {  	_ =	shalt  }
0x59: {  	_ =	shalt  }
0x5a: {  	_ =	shalt  }
0x5b: {  	_ =	shalt  }
0x5c: {  	_ =	shalt  }
0x5d: {  	_ =	shalt  }
0x5e: {  	_ =	shalt  }
0x5f: {  	_ =	shalt  }
0x60: {  	_ =	shalt  }
0x61: {  	_ =	shalt  }
0x62: {  	_ =	shalt  }
0x63: {  	_ =	shalt  }
0x64: {  	_ =	shalt  }
0x65: {  	_ =	shalt  }
0x66: {  	_ =	shalt  }
0x67: {  	_ =	shalt  }
0x68: {  	_ =	shalt  }
0x69: {  	_ =	shalt  }
0x6a: {  	_ =	shalt  }
0x6b: {  	_ =	shalt  }
0x6c: {  	_ =	shalt  }
0x6d: {  	_ =	shalt  }
0x6e: {  	_ =	shalt  }
0x6f: {  	_ =	shalt  }
0x70: {  	_ =	shalt  }
0x71: {  	_ =	shalt  }
0x72: {  	_ =	shalt  }
0x73: {  	_ =	shalt  }
0x74: {  	_ =	shalt  }
0x75: {  	_ =	shalt  }
0x76: {  	_ =	shalt  }
0x77: {  	_ =	shalt  }
0x78: {  	_ =	shalt  }
0x79: {  	_ =	shalt  }
0x7a: {  	_ =	shalt  }
0x7b: {  	_ =	shalt  }
0x7c: {  	_ =	shalt  }
0x7d: {  	_ =	shalt  }
0x7e: {  	_ =	shalt  }
0x7f: {  	_ =	shalt  }
0x80: {  	_ =	shalt  }
0x81: {  	_ =	shalt  }
0x82: {  	_ =	shalt  }
0x83: {  	_ =	shalt  }
0x84: {  	_ =	shalt  }
0x85: {  	_ =	shalt  }
0x86: {  	_ =	shalt  }
0x87: {  	_ =	shalt  }
.Lfunc_end0:
.L_simem_size_0:
called_computation_lowered:
.L_overlay_start_0:
0x88: {  	s2 =	sld [smem:$0x3FD9]  }
0x89: {  	s3 =	sld [smem:$0x3FFE];
	_ =	sdelay $0x1  }
0x8a: {  	s1 =	srdreg.scid  }
0x8b: {  	s0 =	sand.u32 $0x1, s1  }
0x8c: {  	s17 =	sshll.u32 s0, $0xA;
	s2 =	sadd.s32 s3, s2  }
0x8d: {  	s2 =	sadd.s32 s2, s17  }
0x8e: {  	[smem:$0x3FC7] =	sst s2  }
0x8f: {  	_ = 	snop  }
0x90: {  	s2 =	sld [smem:$0x3FC9];
	(tm) =	ssettm $0x1  }
0x91: {  	s18 =	sld [smem:$0x3FFB];
	_ =	sdelay $0x3  }
0x92: {  	_ =	strace s18  }
0x93: {  	s3 =	sld [smem:$0x3FFC];
	_ =	sdelay $0x3  }
0x94: {  	_ =	strace s3  }
0x95: {  	s3 =	sld [smem:$0x3FFD];
	_ =	sdelay $0x3  }
0x96: {  	_ =	strace s3  }
0x97: {  	_ =	strace $0x8FFFFFFF  }
0x98: {  	s19 =	sld [smem:$0x3FDB];
	_ =	sdelay $0x1  }
0x99: {  	s4 =	simm.s32 $_scs_section_size  }
0x9a: {  	s5 =	simm.s32 $_size__tile_overlayer_lowered;
	s6 =	simm.s32 $_tile_overlayer_lowered  }
0x9b: {  	s22 =	simm.s32 $0x1BFF;
	s21 =	sshll.u32 s6, $0x1;
	s3 =	sadd.s32 s4, s19  }
0x9c: {  	s7 =	simm.s32 $0x0;
	s20 =	sshll.u32 s5, $0x1;
	s5 =	sadd.s32 s21, s3  }
0x9d: {  	[timem:s7], [sflag:s22] =	dma.local [hbm:s5], s20  }
0x9e: {  	_ =	swait.ge [sflag:s22], s20  }
0x9f: {  	s4 =	ssub.s32 $0x0, s20;
	[sflag:s22] =	ssyncset.done $0x0  }
0xa0: {  	[sflag:s22] =	ssyncadd.s32 s4;
	_ =	sdelay $0x1  }
0xa1: {  	s23 =	simm.s32 $0x1B8B  }
0xa2: {  	_ =	swait.ge [sflag:s23], $0x1  }
0xa3: {  	[sflag:s23] =	ssyncset.done $0x0  }
0xa4: {  	s25 =	simm.s32 $0x1B8E;
	s24 =	sld [smem:$0x3FFE];
	[sflag:s23] =	ssyncadd.s32 $0xFFFFFFFF  }
0xa5: {  	s26 =	simm.s32 $execute0_lowered;
	[smem:$0x3FD2] =	sst s25  }
0xa6: {  	s5 =	sshll.u32 s26, $0x1;
	_ =	strace $0x80000046;
	[dreg:$0x1] =	wrdreg $0xFFFFFFFF  }
0xa7: {  	s28 =	simm.s32 $_size_execute0_lowered;
	s3 =	sadd.s32 s3, s5;
	[dreg:$0x0] =	wrdreg $0x0  }
0xa8: {  	s5 =	sshll.u32 s28, $0x1;
	[dreg:$0x2] =	wrdreg s3  }
0xa9: {  	[dreg:$0x3] =	wrdreg s5  }
0xaa: {  	[dreg:$0x4] =	wrdreg $0xC0  }
0xab: {  	_ =	task [dreg:s7], $0x5FFFF  }
0xac: {  	[dreg:$0x1] =	wrdreg $0xFFFFFFFF  }
0xad: {  	[dreg:$0x0] =	wrdreg $0x60  }
0xae: {  	[dreg:$0x2] =	wrdreg s2  }
0xaf: {  	[dreg:$0x3] =	wrdreg s24  }
0xb0: {  	[dreg:$0x4] =	wrdreg $0x9  }
0xb1: {  	_ =	task.clear_ibuf [dreg:s7], $0x5FFFF;
	_ =	strace $0x90000046  }
0xb2: {  	s29 =	simm.s32 $0x9;
	_ =	strace $0x80000048  }
0xb3: {  	_ =	swait.ge [sflag:s29], $0x1  }
0xb4: {  	[sflag:s29] =	ssyncadd.s32 $0xFFFFFFFF  }
0xb5: {  	_ =	strace $0x90000048  }
0xb6: {  	_ =	sfence  }
0xb7: {  	s30 =	sld [smem:$0x0];
	_ =	sdelay $0x2  }
0xb8: {  	s31 =	sshll.u32 s1, $0xD;
	s1 =	sshrl.u32 s1, $0x2  }
0xb9: {  	s3 =	sand.u32 $0x4000, s31;
	s1 =	sadd.s32 s1, s30  }
0xba: {  	s0 =	sor.u32 s3, s0;
	s1 =	sshll.u32 s1, $0x11  }
0xbb: {  	s0 =	sor.u32 s1, s0  }
0xbc: {  	s0 =	sadd.s32 $0x8F2B, s0  }
0xbd: {  	[sflag:s0] =	ssyncadd.remote.s32 $0x1  }
0xbe: {  	_ =	sfence.sel $0xFFFF  }
0xbf: {  	[dreg:$0x0] =	wrdreg $0xFFFFFFFF;
	(pc) =	sbr.abs _section_cstart, $3  }
0xc0: {  	[dreg:$0x1] =	wrdreg $0xFFFFFFFF  }
0xc1: {  	_ =	task.clear_ibuf [dreg:s7], $0x2FFFF;
	_ =	strace $0x9FFFFFFF  }
0xc2: {  	(tm) =	ssettm $0x7FFFFFFF  }
0xc3: {  	_ =	shalt  }
tec
execute0_lowered:
.L_overlay_start_1:
0x0: {  	(tag) =	ssettag $0x1  }
0x1: {  	s3 =	rddreg [dreg:$0x0]  }
0x2: {  	s4 =	rddreg [dreg:$0x1]  }
0x3: {  	s0 =	rddreg [dreg:$0x2];
	s2 =	simm.s32 $0x0  }
0x4: {  	s5 =	srdreg.scid;
	s1 =	stileid.u32;
	s9 =	simm.s32 $0x8000  }
0x5: {  	s10 =	simm.s32 $0x1;
	s11 =	simm.s32 $0x2;
	s12 =	simm.s32 $0x10000  }
0x6: {  	s13 =	simm.s32 $0x3;
	s14 =	simm.s32 $0x0;
	[smem:$0x7FF] =	sst s2  }
0x7: {  	s5 =	sand.u32 $0x1, s5;
	s6 =	sshll.u32 s1, $0x1;
	_ =	strace $0x80000047  }
.Ltmp0:
0x8: {  	s6 =	sor.u32 s5, s6;
	s5 =	ssub.s32 $0x2, s5;
	(pc) =	sbr.rel .LBB2_1-.Ltmp0, $4  }
0x9: {  	s7 =	sshll.u32 s6, $0x6;
	s8 =	sshrl.u32 s5, $0x1;
	s6 =	sshll.u32 s6, $0xE  }
0xa: {  	s7 =	sadd.s32 s7, s4;
	s8 =	ssub.s32 s5, s8;
	s6 =	sadd.s32 s6, s3  }
0xb: {  	s3 =	sadd.s32 $0x180000, s6;
	s4 =	sadd.s32 $0x181000, s6;
	s5 =	sadd.s32 $0x182000, s6  }
0xc: {  	vm0 =	vmmov $0x7fff;
	vm1 =	vmmov $0x1;
	s6 =	sadd.s32 $0x183000, s6;
	s7 =	sadd.s32 $0x600, s7;
	s8 =	smax.u32 s8, $0x1  }
.LBB2_16:
0xd: {  	s14 =	sadd.s32 $0x1, s14  }
0xe: {  	p0 =	sne.s32 s14, s8  }
.Ltmp1:
0xf: {  	_ = 	snop;
	(pc) =	sbr.rel @!p0 .LBB2_17-.Ltmp1, $4  }
0x10: {  	[hbm4b:s7+s2] =	stream.linear.scatter [tilespmem:s12], [sflag:$0x3], $0x200, $0x38;
	[tilespmem:$0x10200] =	vst v63  }
0x11: {  	_ =	swait.ge [sflag:s13], $0x200  }
0x12: {  	[sflag:s13] =	ssyncset.done $0x0  }
0x13: {  	[sflag:s13] =	ssyncadd.s32 $0xFFFFFE00  }
.LBB2_1:
0x14: {  	[tilespmem:s2], [sflag:$0x1] =	stream.linear.gather [hbm4b:s3+s2], $0x8000, $0x38;
	[tilespmem:$0x10200] =	vst v63  }
0x15: {  	p0 =	por $0x1, $0x1;
	s17 =	smov.u32 s4;
	s16 =	simm.s32 $0x0  }
.LBB2_2:
0x16: {  	s15 =	simm.s32 $0x0  }
0x17: {  	[tilespmem:s9], [sflag:$0x2] =	stream.linear.gather [hbm4b:s17+s15], $0x8000, $0x38;
	[tilespmem:$0x10200] =	vst v63  }
0x18: {  	s16 =	sshra.s32 s16, $0x2;
	_ =	swait.ge [sflag:s10], $0x8000  }
0x19: {  	s31 =	sadd.s32 $0x10000, s16;
	[sflag:s10] =	ssyncset.done $0x0  }
0x1a: {  	s16 =	simm.s32 $0x470;
	v0 =	vmov s31;
	[sflag:s10] =	ssyncadd.s32 $0xFFFF8000  }
.LBB2_3:
0x1b: {  	v1 =	vmov s16;
	_ =	sdelay $0x3  }
0x1c: {  	s18 =	simm.s32 $0x0  }
0x1d: {  	v4 =	vld.idx.msk [tilespmem:v1+s18+$0xFFFFFF90 ss:$0x1], $0xffff  }
0x1e: {  	v5 =	vld.idx.msk [tilespmem:v1+s18+$0xFFFFFFA0 ss:$0x1], $0xffff  }
0x1f: {  	v6 =	vld.idx.msk [tilespmem:v1+s18+$0xFFFFFFB0 ss:$0x1], $0xffff  }
0x20: {  	v7 =	vld.idx.msk [tilespmem:v1+s18+$0xFFFFFFC0 ss:$0x1], $0xffff  }
0x21: {  	v2 =	vld.idx.msk [tilespmem:v1+s18+$0xFFFFFFD0 ss:$0x1], $0xffff  }
0x22: {  	v3 =	vld.idx.msk [tilespmem:v1+s18+$0xFFFFFFE0 ss:$0x1], $0xffff  }
0x23: {  	v20 =	vld.idx.msk [tilespmem:v1+s18+$0xFFFFFB90 ss:$0x1], $0xffff  }
0x24: {  	v22 =	vld.idx.msk [tilespmem:v1+s18+$0xFFFFFBA0 ss:$0x1], $0xffff  }
0x25: {  	v19 =	vld.idx.msk [tilespmem:v1+s18+$0xFFFFFBB0 ss:$0x1], $0xffff  }
0x26: {  	v21 =	vld.idx.msk [tilespmem:v1+s18+$0xFFFFFBC0 ss:$0x1], $0xffff  }
0x27: {  	v12 =	vimm.f32 $0.0e+00;
	v13 =	vimm.f32 $0.0e+00;
	v16 =	vld.idx.msk [tilespmem:v1+s18+$0xFFFFFBD0 ss:$0x1], $0xffff  }
0x28: {  	v14 =	vimm.f32 $0.0e+00;
	v15 =	vimm.f32 $0.0e+00;
	v8 =	vimm.f32 $0.0e+00;
	v17 =	vld.idx.msk [tilespmem:v1+s18+$0xFFFFFBE0 ss:$0x1], $0xffff  }
0x29: {  	s17 =	sshll.u32 s15, $0x7;
	s19 =	simm.s32 $0x2000;
	v9 =	vimm.f32 $0.0e+00;
	v10 =	vimm.f32 $0.0e+00;
	v11 =	vimm.f32 $0.0e+00;
	v18 =	vld.idx.msk [tilespmem:v1+s18+$0xFFFFFBF0 ss:$0x1], $0xffff  }
.LBB2_4:
0x2a: {  	p1 =	sne.s32 s19, $0x1E000;
	v23 =	vld.idx.msk [tilespmem:v1+s18+$0xFFFFFC00 ss:$0x1], $0xffff  }
0x2b: {  	v12 =	vadd.f32 v20, v12;
	v13 =	vadd.f32 v22, v13;
	v20 =	vld.idx.msk [tilespmem:v1+s18+$0xFFFFFFF0 ss:$0x1], $0xffff  }
0x2c: {  	v14 =	vadd.f32 v19, v14;
	v15 =	vadd.f32 v21, v15;
	v19 =	vld.idx.msk [tilespmem:v1+s18+$0x0 ss:$0x1], $0xffff;
	s18 =	sshra.s32 s19, $0x2  }
0x2d: {  	v12 =	vadd.f32 v4, v12;
	v13 =	vadd.f32 v5, v13;
	v4 =	vld.idx.msk [tilespmem:v1+s18+$0xFFFFFF90 ss:$0x1], $0xffff  }
0x2e: {  	v14 =	vadd.f32 v6, v14;
	v15 =	vadd.f32 v7, v15;
	v5 =	vld.idx.msk [tilespmem:v1+s18+$0xFFFFFFA0 ss:$0x1], $0xffff  }
0x2f: {  	v8 =	vadd.f32 v16, v8;
	v9 =	vadd.f32 v17, v9;
	v6 =	vld.idx.msk [tilespmem:v1+s18+$0xFFFFFFB0 ss:$0x1], $0xffff  }
0x30: {  	v10 =	vadd.f32 v18, v10;
	v11 =	vadd.f32 v23, v11;
	v7 =	vld.idx.msk [tilespmem:v1+s18+$0xFFFFFFC0 ss:$0x1], $0xffff  }
0x31: {  	v8 =	vadd.f32 v2, v8;
	v9 =	vadd.f32 v3, v9;
	v2 =	vld.idx.msk [tilespmem:v1+s18+$0xFFFFFFD0 ss:$0x1], $0xffff  }
0x32: {  	v10 =	vadd.f32 v20, v10;
	v11 =	vadd.f32 v19, v11;
	v3 =	vld.idx.msk [tilespmem:v1+s18+$0xFFFFFFE0 ss:$0x1], $0xffff  }
0x33: {  	v20 =	vld.idx.msk [tilespmem:v1+s18+$0xFFFFFB90 ss:$0x1], $0xffff  }
0x34: {  	v22 =	vld.idx.msk [tilespmem:v1+s18+$0xFFFFFBA0 ss:$0x1], $0xffff  }
.Ltmp2:
0x35: {  	v19 =	vld.idx.msk [tilespmem:v1+s18+$0xFFFFFBB0 ss:$0x1], $0xffff;
	(pc) =	sbr.rel @p1 .LBB2_4-.Ltmp2, $4  }
0x36: {  	v21 =	vld.idx.msk [tilespmem:v1+s18+$0xFFFFFBC0 ss:$0x1], $0xffff  }
0x37: {  	v16 =	vld.idx.msk [tilespmem:v1+s18+$0xFFFFFBD0 ss:$0x1], $0xffff  }
0x38: {  	v17 =	vld.idx.msk [tilespmem:v1+s18+$0xFFFFFBE0 ss:$0x1], $0xffff  }
0x39: {  	s19 =	sadd.s32 $0x2000, s19;
	v18 =	vld.idx.msk [tilespmem:v1+s18+$0xFFFFFBF0 ss:$0x1], $0xffff  }
0x3a: {  	_ =	sdelay $0x3  }
0x3b: {  	v23 =	vld.idx.msk [tilespmem:v1+s18+$0xFFFFFC00 ss:$0x1], $0xffff;
	v12 =	vadd.f32 v20, v12;
	v13 =	vadd.f32 v22, v13  }
0x3c: {  	v20 =	vld.idx.msk [tilespmem:v1+s18+$0xFFFFFFF0 ss:$0x1], $0xffff;
	v14 =	vadd.f32 v19, v14;
	v15 =	vadd.f32 v21, v15  }
0x3d: {  	v19 =	vld.idx.msk [tilespmem:v1+s18+$0x0 ss:$0x1], $0xffff;
	v4 =	vadd.f32 v4, v12;
	v5 =	vadd.f32 v5, v13  }
0x3e: {  	v6 =	vadd.f32 v6, v14;
	v8 =	vadd.f32 v16, v8  }
0x3f: {  	v7 =	vadd.f32 v7, v15;
	v9 =	vadd.f32 v17, v9  }
0x40: {  	v10 =	vadd.f32 v18, v10;
	v11 =	vadd.f32 v23, v11  }
0x41: {  	v2 =	vadd.f32 v2, v8;
	v3 =	vadd.f32 v3, v9  }
0x42: {  	v8 =	vadd.f32 v20, v10;
	v9 =	vadd.f32 v19, v11  }
0x43: {  	v4 =	vadd.f32 v5, v4;
	v5 =	vadd.f32 v7, v6  }
0x44: {  	v3 =	vadd.f32 v3, v2;
	v2 =	vld [tilespmem:s17+$0x7C70];
	v6 =	vadd.f32 v9, v8;
	_ =	sdelay $0x1  }
0x45: {  	v4 =	vadd.f32 v5, v4;
	v3 =	vadd.f32 v6, v3;
	_ =	sdelay $0x1  }
0x46: {  	v3 =	vadd.f32 v3, v4  }
0x47: {  	v4 =	vsel vm0, $0x0, v2  }
0x48: {  	v3 =	vsub.f32 v3, v4;
	_ =	sdelay $0x1  }
0x49: {  	(xrf2) =	vadd.scan.msk.f32 $0xffff, v3;
	_ =	sdelay $0x9  }
0x4a: {  	v3, _, _ =	vpop (xrf2)  }
0x4b: {  	v3 =	vbroadcast v3, $0xF;
	_ =	sdelay $0x1  }
0x4c: {  	s19 =	simm.s32 $0x0;
	(erf) = vrcp.f32 v3  }
0x4d: {  	v25 =	vld.idx.msk [tilespmem:v1+s19+$0xFFFFFB90 ss:$0x1], $0xffff  }
0x4e: {  	v24 =	vld.idx.msk [tilespmem:v1+s19+$0xFFFFFF90 ss:$0x1], $0xffff  }
0x4f: {  	v12 =	vld.idx.msk [tilespmem:v1+s19+$0xFFFFFBB0 ss:$0x1], $0xffff  }
0x50: {  	v7 =	vld.idx.msk [tilespmem:v1+s19+$0xFFFFFFD0 ss:$0x1], $0xffff  }
0x51: {  	v10 =	vld.idx.msk [tilespmem:v1+s19+$0xFFFFFBD0 ss:$0x1], $0xffff  }
0x52: {  	v4 =	vld.idx.msk [tilespmem:v1+s19+$0x0 ss:$0x1], $0xffff  }
0x53: {  	v8 =	vld.idx.msk [tilespmem:v1+s19+$0xFFFFFC00 ss:$0x1], $0xffff  }
0x54: {  	v6 =	vld.idx.msk [tilespmem:v1+s19+$0xFFFFFFE0 ss:$0x1], $0xffff  }
0x55: {  	v11 =	vld.idx.msk [tilespmem:v1+s19+$0xFFFFFBE0 ss:$0x1], $0xffff;
	v3 =	vpop (erf)  }
0x56: {  	v13 =	vld.idx.msk [tilespmem:v1+s19+$0xFFFFFFA0 ss:$0x1], $0xffff;
	v7 =	vmul.f32 v7, v3  }
0x57: {  	v16 =	vimm.f32 $1.000000000e+00;
	v23 =	vld.idx.msk [tilespmem:v1+s19+$0xFFFFFBC0 ss:$0x1], $0xffff;
	v15 =	vmul.f32 v4, v3;
	v10 =	vmul.f32 v10, v3  }
0x58: {  	v17 =	vimm.f32 $1.000000000e+00;
	v5 =	vld.idx.msk [tilespmem:v1+s19+$0xFFFFFFB0 ss:$0x1], $0xffff;
	v22 =	vmul.f32 v8, v3;
	v19 =	vmul.f32 v12, v3  }
0x59: {  	v9 =	vld.idx.msk [tilespmem:v1+s19+$0xFFFFFBF0 ss:$0x1], $0xffff;
	v26 =	vmul.f32 v6, v3;
	v6 =	vimm.f32 $1.000000000e+00;
	v12 =	vimm.f32 $1.000000000e+00  }
0x5a: {  	v14 =	vld.idx.msk [tilespmem:v1+s19+$0xFFFFFBA0 ss:$0x1], $0xffff;
	v4 =	vsub.f32 $1.000000000e+00, v7;
	v7 =	vmul.f32 v11, v3;
	v8 =	vsub.f32 $1.000000000e+00, v15  }
0x5b: {  	v18 =	vld.idx.msk [tilespmem:v1+s19+$0xFFFFFFF0 ss:$0x1], $0xffff;
	v21 =	vsub.f32 $1.000000000e+00, v10;
	v11 =	vimm.f32 $1.000000000e+00;
	v15 =	vimm.f32 $1.000000000e+00  }
0x5c: {  	s18 =	simm.s32 $0x2000;
	v20 =	vld.idx.msk [tilespmem:v1+s19+$0xFFFFFFC0 ss:$0x1], $0xffff;
	v10 =	vimm.f32 $1.000000000e+00;
	v27 =	vsub.f32 $1.000000000e+00, v7;
	v7 =	vimm.f32 $1.000000000e+00  }
.LBB2_6:
0x5d: {  	s19 =	sshra.s32 s18, $0x2;
	p1 =	sne.s32 s18, $0x1E000;
	s18 =	sadd.s32 $0x2000, s18;
	v23 =	vmul.f32 v23, v3;
	v28 =	vmul.f32 v5, v3  }
0x5e: {  	v9 =	vmul.f32 v9, v3;
	v22 =	vsub.f32 $1.000000000e+00, v22;
	v13 =	vmul.f32 v13, v3;
	v5 =	vld.idx.msk [tilespmem:v1+s19+$0xFFFFFFB0 ss:$0x1], $0xffff  }
0x5f: {  	v16 =	vmul.f32 v27, v16;
	v26 =	vsub.f32 $1.000000000e+00, v26;
	v29 =	vld.idx.msk [tilespmem:v1+s19+$0xFFFFFFE0 ss:$0x1], $0xffff;
	v23 =	vsub.f32 $1.000000000e+00, v23  }
0x60: {  	v14 =	vmul.f32 v14, v3;
	v30 =	vsub.f32 $1.000000000e+00, v13;
	v13 =	vmul.f32 v18, v3;
	v27 =	vld.idx.msk [tilespmem:v1+s19+$0x0 ss:$0x1], $0xffff  }
0x61: {  	v31 =	vsub.f32 $1.000000000e+00, v9;
	v20 =	vmul.f32 v20, v3;
	v25 =	vmul.f32 v25, v3;
	v18 =	vld.idx.msk [tilespmem:v1+s19+$0xFFFFFFD0 ss:$0x1], $0xffff  }
0x62: {  	v19 =	vsub.f32 $1.000000000e+00, v19;
	v17 =	vmul.f32 v21, v17;
	v21 =	vmul.f32 v24, v3;
	v9 =	vld.idx.msk [tilespmem:v1+s19+$0xFFFFFBF0 ss:$0x1], $0xffff  }
0x63: {  	v6 =	vmul.f32 v22, v6;
	v11 =	vmul.f32 v31, v11;
	v25 =	vsub.f32 $1.000000000e+00, v25;
	v24 =	vld.idx.msk [tilespmem:v1+s19+$0xFFFFFC00 ss:$0x1], $0xffff  }
0x64: {  	v14 =	vsub.f32 $1.000000000e+00, v14;
	v15 =	vmul.f32 v19, v15;
	v19 =	vsub.f32 $1.000000000e+00, v13;
	v31 =	vld.idx.msk [tilespmem:v1+s19+$0xFFFFFBD0 ss:$0x1], $0xffff  }
0x65: {  	v10 =	vmul.f32 v23, v10;
	v6 =	vmul.f32 v8, v6;
	v32 =	vld.idx.msk [tilespmem:v1+s19+$0xFFFFFBE0 ss:$0x1], $0xffff  }
0x66: {  	v12 =	vmul.f32 v14, v12;
	v14 =	vsub.f32 $1.000000000e+00, v20;
	v8 =	vmul.f32 v27, v3;
	v33 =	vld.idx.msk [tilespmem:v1+s19+$0xFFFFFBB0 ss:$0x1], $0xffff  }
0x67: {  	v16 =	vmul.f32 v26, v16;
	v21 =	vsub.f32 $1.000000000e+00, v21;
	v18 =	vmul.f32 v18, v3;
	v13 =	vld.idx.msk [tilespmem:v1+s19+$0xFFFFFFA0 ss:$0x1], $0xffff  }
0x68: {  	v10 =	vmul.f32 v14, v10;
	v7 =	vmul.f32 v25, v7;
	v23 =	vld.idx.msk [tilespmem:v1+s19+$0xFFFFFBC0 ss:$0x1], $0xffff  }
.Ltmp3:
0x69: {  	v11 =	vmul.f32 v19, v11;
	v22 =	vmul.f32 v24, v3;
	v24 =	vsub.f32 $1.000000000e+00, v18;
	v14 =	vld.idx.msk [tilespmem:v1+s19+$0xFFFFFBA0 ss:$0x1], $0xffff;
	(pc) =	sbr.rel @p1 .LBB2_6-.Ltmp3, $4  }
0x6a: {  	v17 =	vmul.f32 v4, v17;
	v27 =	vsub.f32 $1.000000000e+00, v28;
	v26 =	vmul.f32 v31, v3;
	v18 =	vld.idx.msk [tilespmem:v1+s19+$0xFFFFFFF0 ss:$0x1], $0xffff  }
0x6b: {  	v7 =	vmul.f32 v21, v7;
	v8 =	vsub.f32 $1.000000000e+00, v8;
	v28 =	vmul.f32 v32, v3;
	v4 =	vmovc v24;
	v20 =	vld.idx.msk [tilespmem:v1+s19+$0xFFFFFFC0 ss:$0x1], $0xffff  }
0x6c: {  	v15 =	vmul.f32 v27, v15;
	v19 =	vmul.f32 v33, v3;
	v21 =	vsub.f32 $1.000000000e+00, v26;
	v25 =	vld.idx.msk [tilespmem:v1+s19+$0xFFFFFB90 ss:$0x1], $0xffff  }
0x6d: {  	v12 =	vmul.f32 v30, v12;
	v26 =	vmul.f32 v29, v3;
	v27 =	vsub.f32 $1.000000000e+00, v28;
	v24 =	vld.idx.msk [tilespmem:v1+s19+$0xFFFFFF90 ss:$0x1], $0xffff  }
0x6e: {  	v1 =	vmul.f32 v23, v3;
	v52 =	vld [tilespmem:s17+$0x0]  }
0x6f: {  	v5 =	vmul.f32 v5, v3;
	v9 =	vmul.f32 v9, v3  }
0x70: {  	v22 =	vsub.f32 $1.000000000e+00, v22;
	v13 =	vmul.f32 v13, v3;
	v14 =	vmul.f32 v14, v3  }
0x71: {  	v17 =	vmul.f32 v21, v17;
	v19 =	vsub.f32 $1.000000000e+00, v19;
	v2 =	vmul.f32 v3, v2  }
0x72: {  	v16 =	vmul.f32 v27, v16;
	v26 =	vsub.f32 $1.000000000e+00, v26;
	v18 =	vmul.f32 v18, v3  }
0x73: {  	v1 =	vsub.f32 $1.000000000e+00, v1;
	v13 =	vsub.f32 $1.000000000e+00, v13;
	v23 =	vmul.f32 v52, v3  }
0x74: {  	v9 =	vsub.f32 $1.000000000e+00, v9;
	v20 =	vmul.f32 v20, v3;
	v6 =	vmul.f32 v22, v6  }
0x75: {  	v54 =	vsub.f32 $1.000000000e+00, v14;
	v55 =	vmul.f32 v19, v15;
	v56 =	vsub.f32 $1.000000000e+00, v23  }
0x76: {  	v5 =	vsub.f32 $1.000000000e+00, v5;
	v4 =	vmul.f32 v4, v17;
	v25 =	vmul.f32 v25, v3  }
0x77: {  	v2 =	vsub.f32 $1.000000000e+00, v2;
	v60 =	vmul.f32 v26, v16;
	(erf) = vrcp.f32 v56  }
0x78: {  	v53 =	vmul.f32 v24, v3;
	v9 =	vmul.f32 v9, v11;
	v57 =	vsub.f32 $1.000000000e+00, v25  }
0x79: {  	v1 =	vmul.f32 v1, v10;
	v58 =	vmul.f32 v54, v12;
	v59 =	vsub.f32 $1.000000000e+00, v20  }
0x7a: {  	v5 =	vmul.f32 v5, v55;
	v3 =	vsub.f32 $1.000000000e+00, v53;
	v7 =	vmul.f32 v57, v7  }
0x7b: {  	v61 =	vsub.f32 $1.000000000e+00, v18;
	v1 =	vmul.f32 v59, v1;
	v62 =	vmul.f32 v13, v58  }
0x7c: {  	v3 =	vmul.f32 v3, v7;
	(erf) = vrcp.f32 v2  }
0x7d: {  	v6 =	vmul.f32 v8, v6;
	v2 =	vmul.f32 v61, v9  }
0x7e: {  	v1 =	vmul.f32 v1, v5;
	v3 =	vmul.f32 v62, v3  }
0x7f: {  	v4 =	vmul.f32 v60, v4;
	v2 =	vmul.f32 v6, v2  }
0x80: {  	v1 =	vmul.f32 v1, v3;
	v63 =	vpop (erf)  }
0x81: {  	v2 =	vmul.f32 v2, v4;
	v3 =	vmul.f32 v63, v23;
	_ =	sdelay $0x1  }
0x82: {  	s31 =	sshll.u32 s15, $0x4;
	s15 =	sadd.s32 $0x1, s15;
	v1 =	vmul.f32 v2, v1  }
0x83: {  	p1 =	sne.s32 s15, $0x8;
	v2 =	vnsel vm1, $0x3F800000, v3  }
.Ltmp4:
0x84: {  	v1 =	vmul.f32 v2, v1;
	v3 =	vpop (erf);
	(pc) =	sbr.rel @p1 .LBB2_3-.Ltmp4, $4  }
0x85: {  	v2 =	vsel vm0, $0x3F800000, v3  }
0x86: {  	v1 =	vmul.f32 v1, v2  }
0x87: {  	s17 =	sand.u32 $0x3FFFFFF0, s31  }
0x88: {  	s16 =	sadd.s32 $0x80, s16;
	[tilespmem:v0+s17+$0x0 ss:$0x1] =	vst.idx.msk $0xffff, v1  }
0x89: {  	s15 =	simm.s32 @p0 $0x0  }
0x8a: {  	[tilespmem:s15], [sflag:$0x1] =	stream.linear.gather @p0 [hbm4b:s5+s15], $0x8000, $0x38;
	[tilespmem:$0x10200] =	vst v63  }
0x8b: {  	_ =	swait.ge [sflag:s11], $0x8000  }
0x8c: {  	[sflag:s11] =	ssyncset.done $0x0  }
0x8d: {  	s16 =	simm.s32 $0x8470;
	s15 =	simm.s32 $0x0;
	[sflag:s11] =	ssyncadd.s32 $0xFFFF8000  }
.LBB2_9:
0x8e: {  	v1 =	vmov s16;
	_ =	sdelay $0x3  }
0x8f: {  	s18 =	simm.s32 $0x0  }
0x90: {  	v4 =	vld.idx.msk [tilespmem:v1+s18+$0xFFFFFF90 ss:$0x1], $0xffff  }
0x91: {  	v5 =	vld.idx.msk [tilespmem:v1+s18+$0xFFFFFFA0 ss:$0x1], $0xffff  }
0x92: {  	v6 =	vld.idx.msk [tilespmem:v1+s18+$0xFFFFFFB0 ss:$0x1], $0xffff  }
0x93: {  	v7 =	vld.idx.msk [tilespmem:v1+s18+$0xFFFFFFC0 ss:$0x1], $0xffff  }
0x94: {  	v2 =	vld.idx.msk [tilespmem:v1+s18+$0xFFFFFFD0 ss:$0x1], $0xffff  }
0x95: {  	v3 =	vld.idx.msk [tilespmem:v1+s18+$0xFFFFFFE0 ss:$0x1], $0xffff  }
0x96: {  	v20 =	vld.idx.msk [tilespmem:v1+s18+$0xFFFFFB90 ss:$0x1], $0xffff  }
0x97: {  	v22 =	vld.idx.msk [tilespmem:v1+s18+$0xFFFFFBA0 ss:$0x1], $0xffff  }
0x98: {  	v19 =	vld.idx.msk [tilespmem:v1+s18+$0xFFFFFBB0 ss:$0x1], $0xffff  }
0x99: {  	v21 =	vld.idx.msk [tilespmem:v1+s18+$0xFFFFFBC0 ss:$0x1], $0xffff  }
0x9a: {  	v12 =	vimm.f32 $0.0e+00;
	v13 =	vimm.f32 $0.0e+00;
	v16 =	vld.idx.msk [tilespmem:v1+s18+$0xFFFFFBD0 ss:$0x1], $0xffff  }
0x9b: {  	v14 =	vimm.f32 $0.0e+00;
	v15 =	vimm.f32 $0.0e+00;
	v8 =	vimm.f32 $0.0e+00;
	v17 =	vld.idx.msk [tilespmem:v1+s18+$0xFFFFFBE0 ss:$0x1], $0xffff  }
0x9c: {  	s17 =	sshll.u32 s15, $0x7;
	s19 =	simm.s32 $0x2000;
	v9 =	vimm.f32 $0.0e+00;
	v10 =	vimm.f32 $0.0e+00;
	v11 =	vimm.f32 $0.0e+00;
	v18 =	vld.idx.msk [tilespmem:v1+s18+$0xFFFFFBF0 ss:$0x1], $0xffff  }
.LBB2_10:
0x9d: {  	p1 =	sne.s32 s19, $0x1E000;
	v23 =	vld.idx.msk [tilespmem:v1+s18+$0xFFFFFC00 ss:$0x1], $0xffff  }
0x9e: {  	v12 =	vadd.f32 v20, v12;
	v13 =	vadd.f32 v22, v13;
	v20 =	vld.idx.msk [tilespmem:v1+s18+$0xFFFFFFF0 ss:$0x1], $0xffff  }
0x9f: {  	v14 =	vadd.f32 v19, v14;
	v15 =	vadd.f32 v21, v15;
	v19 =	vld.idx.msk [tilespmem:v1+s18+$0x0 ss:$0x1], $0xffff;
	s18 =	sshra.s32 s19, $0x2  }
0xa0: {  	v12 =	vadd.f32 v4, v12;
	v13 =	vadd.f32 v5, v13;
	v4 =	vld.idx.msk [tilespmem:v1+s18+$0xFFFFFF90 ss:$0x1], $0xffff  }
0xa1: {  	v14 =	vadd.f32 v6, v14;
	v15 =	vadd.f32 v7, v15;
	v5 =	vld.idx.msk [tilespmem:v1+s18+$0xFFFFFFA0 ss:$0x1], $0xffff  }
0xa2: {  	v8 =	vadd.f32 v16, v8;
	v9 =	vadd.f32 v17, v9;
	v6 =	vld.idx.msk [tilespmem:v1+s18+$0xFFFFFFB0 ss:$0x1], $0xffff  }
0xa3: {  	v10 =	vadd.f32 v18, v10;
	v11 =	vadd.f32 v23, v11;
	v7 =	vld.idx.msk [tilespmem:v1+s18+$0xFFFFFFC0 ss:$0x1], $0xffff  }
0xa4: {  	v8 =	vadd.f32 v2, v8;
	v9 =	vadd.f32 v3, v9;
	v2 =	vld.idx.msk [tilespmem:v1+s18+$0xFFFFFFD0 ss:$0x1], $0xffff  }
0xa5: {  	v10 =	vadd.f32 v20, v10;
	v11 =	vadd.f32 v19, v11;
	v3 =	vld.idx.msk [tilespmem:v1+s18+$0xFFFFFFE0 ss:$0x1], $0xffff  }
0xa6: {  	v20 =	vld.idx.msk [tilespmem:v1+s18+$0xFFFFFB90 ss:$0x1], $0xffff  }
0xa7: {  	v22 =	vld.idx.msk [tilespmem:v1+s18+$0xFFFFFBA0 ss:$0x1], $0xffff  }
.Ltmp5:
0xa8: {  	v19 =	vld.idx.msk [tilespmem:v1+s18+$0xFFFFFBB0 ss:$0x1], $0xffff;
	(pc) =	sbr.rel @p1 .LBB2_10-.Ltmp5, $4  }
0xa9: {  	v21 =	vld.idx.msk [tilespmem:v1+s18+$0xFFFFFBC0 ss:$0x1], $0xffff  }
0xaa: {  	v16 =	vld.idx.msk [tilespmem:v1+s18+$0xFFFFFBD0 ss:$0x1], $0xffff  }
0xab: {  	v17 =	vld.idx.msk [tilespmem:v1+s18+$0xFFFFFBE0 ss:$0x1], $0xffff  }
0xac: {  	s19 =	sadd.s32 $0x2000, s19;
	v18 =	vld.idx.msk [tilespmem:v1+s18+$0xFFFFFBF0 ss:$0x1], $0xffff  }
0xad: {  	_ =	sdelay $0x3  }
0xae: {  	v23 =	vld.idx.msk [tilespmem:v1+s18+$0xFFFFFC00 ss:$0x1], $0xffff;
	v12 =	vadd.f32 v20, v12;
	v13 =	vadd.f32 v22, v13  }
0xaf: {  	v20 =	vld.idx.msk [tilespmem:v1+s18+$0xFFFFFFF0 ss:$0x1], $0xffff;
	v14 =	vadd.f32 v19, v14;
	v15 =	vadd.f32 v21, v15  }
0xb0: {  	v19 =	vld.idx.msk [tilespmem:v1+s18+$0x0 ss:$0x1], $0xffff;
	v4 =	vadd.f32 v4, v12;
	v5 =	vadd.f32 v5, v13  }
0xb1: {  	v6 =	vadd.f32 v6, v14;
	v8 =	vadd.f32 v16, v8  }
0xb2: {  	v7 =	vadd.f32 v7, v15;
	v9 =	vadd.f32 v17, v9  }
0xb3: {  	v10 =	vadd.f32 v18, v10;
	v11 =	vadd.f32 v23, v11  }
0xb4: {  	v2 =	vadd.f32 v2, v8;
	v3 =	vadd.f32 v3, v9  }
0xb5: {  	v8 =	vadd.f32 v20, v10;
	v9 =	vadd.f32 v19, v11  }
0xb6: {  	v4 =	vadd.f32 v5, v4;
	v5 =	vadd.f32 v7, v6  }
0xb7: {  	v3 =	vadd.f32 v3, v2;
	v2 =	vld [tilespmem:s17+$0xFC70];
	v6 =	vadd.f32 v9, v8;
	_ =	sdelay $0x1  }
0xb8: {  	v4 =	vadd.f32 v5, v4;
	v3 =	vadd.f32 v6, v3;
	_ =	sdelay $0x1  }
0xb9: {  	v3 =	vadd.f32 v3, v4  }
0xba: {  	v4 =	vsel vm0, $0x0, v2  }
0xbb: {  	v3 =	vsub.f32 v3, v4;
	_ =	sdelay $0x1  }
0xbc: {  	(xrf2) =	vadd.scan.msk.f32 $0xffff, v3;
	_ =	sdelay $0x9  }
0xbd: {  	v3, _, _ =	vpop (xrf2)  }
0xbe: {  	v3 =	vbroadcast v3, $0xF;
	_ =	sdelay $0x1  }
0xbf: {  	s19 =	simm.s32 $0x0;
	(erf) = vrcp.f32 v3  }
0xc0: {  	v25 =	vld.idx.msk [tilespmem:v1+s19+$0xFFFFFB90 ss:$0x1], $0xffff  }
0xc1: {  	v24 =	vld.idx.msk [tilespmem:v1+s19+$0xFFFFFF90 ss:$0x1], $0xffff  }
0xc2: {  	v12 =	vld.idx.msk [tilespmem:v1+s19+$0xFFFFFBB0 ss:$0x1], $0xffff  }
0xc3: {  	v7 =	vld.idx.msk [tilespmem:v1+s19+$0xFFFFFFD0 ss:$0x1], $0xffff  }
0xc4: {  	v10 =	vld.idx.msk [tilespmem:v1+s19+$0xFFFFFBD0 ss:$0x1], $0xffff  }
0xc5: {  	v4 =	vld.idx.msk [tilespmem:v1+s19+$0x0 ss:$0x1], $0xffff  }
0xc6: {  	v8 =	vld.idx.msk [tilespmem:v1+s19+$0xFFFFFC00 ss:$0x1], $0xffff  }
0xc7: {  	v6 =	vld.idx.msk [tilespmem:v1+s19+$0xFFFFFFE0 ss:$0x1], $0xffff  }
0xc8: {  	v11 =	vld.idx.msk [tilespmem:v1+s19+$0xFFFFFBE0 ss:$0x1], $0xffff;
	v3 =	vpop (erf)  }
0xc9: {  	v13 =	vld.idx.msk [tilespmem:v1+s19+$0xFFFFFFA0 ss:$0x1], $0xffff;
	v7 =	vmul.f32 v7, v3  }
0xca: {  	v16 =	vimm.f32 $1.000000000e+00;
	v23 =	vld.idx.msk [tilespmem:v1+s19+$0xFFFFFBC0 ss:$0x1], $0xffff;
	v15 =	vmul.f32 v4, v3;
	v10 =	vmul.f32 v10, v3  }
0xcb: {  	v17 =	vimm.f32 $1.000000000e+00;
	v5 =	vld.idx.msk [tilespmem:v1+s19+$0xFFFFFFB0 ss:$0x1], $0xffff;
	v22 =	vmul.f32 v8, v3;
	v19 =	vmul.f32 v12, v3  }
0xcc: {  	v9 =	vld.idx.msk [tilespmem:v1+s19+$0xFFFFFBF0 ss:$0x1], $0xffff;
	v26 =	vmul.f32 v6, v3;
	v6 =	vimm.f32 $1.000000000e+00;
	v12 =	vimm.f32 $1.000000000e+00  }
0xcd: {  	v14 =	vld.idx.msk [tilespmem:v1+s19+$0xFFFFFBA0 ss:$0x1], $0xffff;
	v4 =	vsub.f32 $1.000000000e+00, v7;
	v7 =	vmul.f32 v11, v3;
	v8 =	vsub.f32 $1.000000000e+00, v15  }
0xce: {  	v18 =	vld.idx.msk [tilespmem:v1+s19+$0xFFFFFFF0 ss:$0x1], $0xffff;
	v21 =	vsub.f32 $1.000000000e+00, v10;
	v11 =	vimm.f32 $1.000000000e+00;
	v15 =	vimm.f32 $1.000000000e+00  }
0xcf: {  	s18 =	simm.s32 $0x2000;
	v20 =	vld.idx.msk [tilespmem:v1+s19+$0xFFFFFFC0 ss:$0x1], $0xffff;
	v10 =	vimm.f32 $1.000000000e+00;
	v27 =	vsub.f32 $1.000000000e+00, v7;
	v7 =	vimm.f32 $1.000000000e+00  }
.LBB2_12:
0xd0: {  	s19 =	sshra.s32 s18, $0x2;
	p1 =	sne.s32 s18, $0x1E000;
	s18 =	sadd.s32 $0x2000, s18;
	v23 =	vmul.f32 v23, v3;
	v28 =	vmul.f32 v5, v3  }
0xd1: {  	v9 =	vmul.f32 v9, v3;
	v22 =	vsub.f32 $1.000000000e+00, v22;
	v13 =	vmul.f32 v13, v3;
	v5 =	vld.idx.msk [tilespmem:v1+s19+$0xFFFFFFB0 ss:$0x1], $0xffff  }
0xd2: {  	v16 =	vmul.f32 v27, v16;
	v26 =	vsub.f32 $1.000000000e+00, v26;
	v29 =	vld.idx.msk [tilespmem:v1+s19+$0xFFFFFFE0 ss:$0x1], $0xffff;
	v23 =	vsub.f32 $1.000000000e+00, v23  }
0xd3: {  	v14 =	vmul.f32 v14, v3;
	v30 =	vsub.f32 $1.000000000e+00, v13;
	v13 =	vmul.f32 v18, v3;
	v27 =	vld.idx.msk [tilespmem:v1+s19+$0x0 ss:$0x1], $0xffff  }
0xd4: {  	v31 =	vsub.f32 $1.000000000e+00, v9;
	v20 =	vmul.f32 v20, v3;
	v25 =	vmul.f32 v25, v3;
	v18 =	vld.idx.msk [tilespmem:v1+s19+$0xFFFFFFD0 ss:$0x1], $0xffff  }
0xd5: {  	v19 =	vsub.f32 $1.000000000e+00, v19;
	v17 =	vmul.f32 v21, v17;
	v21 =	vmul.f32 v24, v3;
	v9 =	vld.idx.msk [tilespmem:v1+s19+$0xFFFFFBF0 ss:$0x1], $0xffff  }
0xd6: {  	v6 =	vmul.f32 v22, v6;
	v11 =	vmul.f32 v31, v11;
	v25 =	vsub.f32 $1.000000000e+00, v25;
	v24 =	vld.idx.msk [tilespmem:v1+s19+$0xFFFFFC00 ss:$0x1], $0xffff  }
0xd7: {  	v14 =	vsub.f32 $1.000000000e+00, v14;
	v15 =	vmul.f32 v19, v15;
	v19 =	vsub.f32 $1.000000000e+00, v13;
	v31 =	vld.idx.msk [tilespmem:v1+s19+$0xFFFFFBD0 ss:$0x1], $0xffff  }
0xd8: {  	v10 =	vmul.f32 v23, v10;
	v6 =	vmul.f32 v8, v6;
	v32 =	vld.idx.msk [tilespmem:v1+s19+$0xFFFFFBE0 ss:$0x1], $0xffff  }
0xd9: {  	v12 =	vmul.f32 v14, v12;
	v14 =	vsub.f32 $1.000000000e+00, v20;
	v8 =	vmul.f32 v27, v3;
	v33 =	vld.idx.msk [tilespmem:v1+s19+$0xFFFFFBB0 ss:$0x1], $0xffff  }
0xda: {  	v16 =	vmul.f32 v26, v16;
	v21 =	vsub.f32 $1.000000000e+00, v21;
	v18 =	vmul.f32 v18, v3;
	v13 =	vld.idx.msk [tilespmem:v1+s19+$0xFFFFFFA0 ss:$0x1], $0xffff  }
0xdb: {  	v10 =	vmul.f32 v14, v10;
	v7 =	vmul.f32 v25, v7;
	v23 =	vld.idx.msk [tilespmem:v1+s19+$0xFFFFFBC0 ss:$0x1], $0xffff  }
.Ltmp6:
0xdc: {  	v11 =	vmul.f32 v19, v11;
	v22 =	vmul.f32 v24, v3;
	v24 =	vsub.f32 $1.000000000e+00, v18;
	v14 =	vld.idx.msk [tilespmem:v1+s19+$0xFFFFFBA0 ss:$0x1], $0xffff;
	(pc) =	sbr.rel @p1 .LBB2_12-.Ltmp6, $4  }
0xdd: {  	v17 =	vmul.f32 v4, v17;
	v27 =	vsub.f32 $1.000000000e+00, v28;
	v26 =	vmul.f32 v31, v3;
	v18 =	vld.idx.msk [tilespmem:v1+s19+$0xFFFFFFF0 ss:$0x1], $0xffff  }
0xde: {  	v7 =	vmul.f32 v21, v7;
	v8 =	vsub.f32 $1.000000000e+00, v8;
	v28 =	vmul.f32 v32, v3;
	v4 =	vmovc v24;
	v20 =	vld.idx.msk [tilespmem:v1+s19+$0xFFFFFFC0 ss:$0x1], $0xffff  }
0xdf: {  	v15 =	vmul.f32 v27, v15;
	v19 =	vmul.f32 v33, v3;
	v21 =	vsub.f32 $1.000000000e+00, v26;
	v25 =	vld.idx.msk [tilespmem:v1+s19+$0xFFFFFB90 ss:$0x1], $0xffff  }
0xe0: {  	v12 =	vmul.f32 v30, v12;
	v26 =	vmul.f32 v29, v3;
	v27 =	vsub.f32 $1.000000000e+00, v28;
	v24 =	vld.idx.msk [tilespmem:v1+s19+$0xFFFFFF90 ss:$0x1], $0xffff  }
0xe1: {  	v1 =	vmul.f32 v23, v3;
	v52 =	vld [tilespmem:s17+$0x8000]  }
0xe2: {  	v5 =	vmul.f32 v5, v3;
	v9 =	vmul.f32 v9, v3  }
0xe3: {  	v22 =	vsub.f32 $1.000000000e+00, v22;
	v13 =	vmul.f32 v13, v3;
	v14 =	vmul.f32 v14, v3  }
0xe4: {  	v17 =	vmul.f32 v21, v17;
	v19 =	vsub.f32 $1.000000000e+00, v19;
	v2 =	vmul.f32 v3, v2  }
0xe5: {  	v16 =	vmul.f32 v27, v16;
	v26 =	vsub.f32 $1.000000000e+00, v26;
	v18 =	vmul.f32 v18, v3  }
0xe6: {  	v1 =	vsub.f32 $1.000000000e+00, v1;
	v13 =	vsub.f32 $1.000000000e+00, v13;
	v23 =	vmul.f32 v52, v3  }
0xe7: {  	v9 =	vsub.f32 $1.000000000e+00, v9;
	v20 =	vmul.f32 v20, v3;
	v6 =	vmul.f32 v22, v6  }
0xe8: {  	v54 =	vsub.f32 $1.000000000e+00, v14;
	v55 =	vmul.f32 v19, v15;
	v56 =	vsub.f32 $1.000000000e+00, v23  }
0xe9: {  	v5 =	vsub.f32 $1.000000000e+00, v5;
	v4 =	vmul.f32 v4, v17;
	v25 =	vmul.f32 v25, v3  }
0xea: {  	v2 =	vsub.f32 $1.000000000e+00, v2;
	v60 =	vmul.f32 v26, v16;
	(erf) = vrcp.f32 v56  }
0xeb: {  	v53 =	vmul.f32 v24, v3;
	v9 =	vmul.f32 v9, v11;
	v57 =	vsub.f32 $1.000000000e+00, v25  }
0xec: {  	v1 =	vmul.f32 v1, v10;
	v58 =	vmul.f32 v54, v12;
	v59 =	vsub.f32 $1.000000000e+00, v20  }
0xed: {  	v5 =	vmul.f32 v5, v55;
	v3 =	vsub.f32 $1.000000000e+00, v53;
	v7 =	vmul.f32 v57, v7  }
0xee: {  	v61 =	vsub.f32 $1.000000000e+00, v18;
	v1 =	vmul.f32 v59, v1;
	v62 =	vmul.f32 v13, v58  }
0xef: {  	v3 =	vmul.f32 v3, v7;
	(erf) = vrcp.f32 v2  }
0xf0: {  	v6 =	vmul.f32 v8, v6;
	v2 =	vmul.f32 v61, v9  }
0xf1: {  	v1 =	vmul.f32 v1, v5;
	v3 =	vmul.f32 v62, v3  }
0xf2: {  	v4 =	vmul.f32 v60, v4;
	v2 =	vmul.f32 v6, v2  }
0xf3: {  	v1 =	vmul.f32 v1, v3;
	v63 =	vpop (erf)  }
0xf4: {  	v2 =	vmul.f32 v2, v4;
	v3 =	vmul.f32 v63, v23;
	_ =	sdelay $0x1  }
0xf5: {  	s31 =	sshll.u32 s15, $0x4;
	s15 =	sadd.s32 $0x1, s15;
	v1 =	vmul.f32 v2, v1  }
0xf6: {  	p1 =	sne.s32 s15, $0x8;
	v2 =	vnsel vm1, $0x3F800000, v3  }
.Ltmp7:
0xf7: {  	v1 =	vmul.f32 v2, v1;
	v3 =	vpop (erf);
	(pc) =	sbr.rel @p1 .LBB2_9-.Ltmp7, $4  }
0xf8: {  	v2 =	vsel vm0, $0x3F800000, v3  }
0xf9: {  	v1 =	vmul.f32 v1, v2  }
0xfa: {  	s17 =	sand.u32 $0x3FFFFFF0, s31  }
0xfb: {  	s16 =	sadd.s32 $0x80, s16;
	[tilespmem:v0+s17+$0x80 ss:$0x1] =	vst.idx.msk $0xffff, v1  }
.Ltmp8:
0xfc: {  	(pc) =	sbr.rel @!p0 .LBB2_16-.Ltmp8, $1  }
0xfd: {  	_ =	sdelay $0x3  }
.Ltmp9:
0xfe: {  	(pc) =	sbr.rel .LBB2_2-.Ltmp9, $2  }
0xff: {  	_ =	sdelay $0x2  }
0x100: {  	s16 =	simm.s32 $0x400;
	p0 =	por $0x0, $0x0;
	s17 =	smov.u32 s6  }
.LBB2_17:
0x101: {  	_ =	sfence.sel $0x180000  }
0x102: {  	[bflag:$0x0] =	sbarrier.arrive $0xFFFF  }
0x103: {  	p0 =	sne.s32 s1, $0x0;
	_ =	strace $0x90000047  }
0x104: {  	s0 =	sadd.s32 @!p0 $0x100000, s0;
	[bflag:$0x2] =	sbarrier.arrive $0xFFFF  }
0x105: {  	[sflag:s0] =	ssyncadd.tile.s32 @!p0 $0x1;
	_ =	shalt  }
.Lfunc_end2:
_tile_overlayer_lowered:
.L_overlay_start_2:
0x106: {  	(tag) =	ssettag $0x2  }
0x107: {  	s0 =	rddreg [dreg:$0x0];
	s2 =	stileid.u32  }
0x108: {  	s1 =	rddreg [dreg:$0x1];
	p0 =	sne.s32 s2, $0x0  }
0x109: {  	s3 =	rddreg [dreg:$0x2];
	[bflag:$0x3] =	sbarrier.arrive $0xFFFF;
	s2 =	simm.s32 @!p0 $0x1C03  }
0x10a: {  	[timem:s3], [sflag:s2] =	dma.local @!p0 [hbm:s0], s1  }
0x10b: {  	s0 =	simm.s32 @!p0 $0x3  }
0x10c: {  	_ =	swait.ge @!p0 [sflag:s0], s1  }
0x10d: {  	s1 =	ssub.s32 @!p0 $0x0, s1;
	[sflag:s0] =	ssyncset.done @!p0 $0x0  }
0x10e: {  	[sflag:s0] =	ssyncadd.s32 @!p0 s1  }
0x10f: {  	[bflag:$0x3] =	sbarrier.arrive $0xFFFF  }
0x110: {  	_ =	shalt  }

</sc_bundles>
